<compile_context>
chip_gen: v7x
topology: tpu7x:2x2x1
jax: 0.10.2.dev20260603
libtpu: 0.0.44.dev20260713+nightly
codegen_flags: <defaults>
</compile_context>

<pallas_src>
import functools

import jax
import jax.numpy as jnp
from jax import lax
from jax.experimental import pallas as pl
from jax.experimental.pallas import tpu as pltpu
from jax.experimental.pallas import tpu_sc as plsc

TOTAL = 10_000_000
BLK = 10_000
NBLK = TOTAL // BLK
LANES = 16
VECS = BLK // LANES
UNROLL = 5
NC = 2
NS = 16
NW = NC * NS
NPAIR = (NBLK + 2 * NW - 1) // (2 * NW)

_mesh = plsc.VectorSubcoreMesh(
    core_axis_name="c", subcore_axis_name="s", num_cores=NC, num_subcores=NS
)


def _wid():
    return lax.axis_index("s") * NC + lax.axis_index("c")


def _in_copies(x_hbm, f_hbm, xb, fb, sem, blk):
    cx = pltpu.make_async_copy(x_hbm.at[pl.ds(blk * BLK, BLK)], xb, sem)
    cf = pltpu.make_async_copy(f_hbm.at[pl.ds(blk * BLK, BLK)], fb, sem)
    return cx, cf


def _masked_block_sum(xb, fb, acc):
    def body(i, a):
        base = i * (LANES * UNROLL)
        for u in range(UNROLL):
            xv = xb[pl.ds(base + u * LANES, LANES)]
            fv = fb[pl.ds(base + u * LANES, LANES)]
            a = a + jnp.where(xv != 0, fv, 0.0)
        return a

    return lax.fori_loop(0, VECS // UNROLL, body, acc)


@functools.partial(
    pl.kernel,
    out_type=jax.ShapeDtypeStruct((NW * LANES,), jnp.float32),
    mesh=_mesh,
    compiler_params=pltpu.CompilerParams(needs_layout_passes=False),
    scratch_types=[
        pltpu.VMEM((BLK,), jnp.int32),
        pltpu.VMEM((BLK,), jnp.int32),
        pltpu.VMEM((BLK,), jnp.float32),
        pltpu.VMEM((BLK,), jnp.float32),
        pltpu.VMEM((LANES,), jnp.float32),
        pltpu.SemaphoreType.DMA,
        pltpu.SemaphoreType.DMA,
    ],
)
def _psum_kernel(x_hbm, f_hbm, out_hbm, xb0, xb1, fb0, fb1, accv, sem0, sem1):
    w = _wid()
    xbs, fbs, sems = (xb0, xb1), (fb0, fb1), (sem0, sem1)

    cx, cf = _in_copies(x_hbm, f_hbm, xbs[0], fbs[0], sems[0], w)
    cx.start()
    cf.start()
    accv[...] = jnp.zeros((LANES,), jnp.float32)

    def step(k, _):
        b0 = w + (2 * k) * NW
        b1 = b0 + NW
        b2 = b0 + 2 * NW

        @pl.when(b1 < NBLK)
        def _():
            cx1, cf1 = _in_copies(x_hbm, f_hbm, xbs[1], fbs[1], sems[1], b1)
            cx1.start()
            cf1.start()

        cx0, cf0 = _in_copies(x_hbm, f_hbm, xbs[0], fbs[0], sems[0], b0)
        cx0.wait()
        cf0.wait()
        accv[...] = _masked_block_sum(xbs[0], fbs[0], accv[...])

        @pl.when(b2 < NBLK)
        def _():
            cx2, cf2 = _in_copies(x_hbm, f_hbm, xbs[0], fbs[0], sems[0], b2)
            cx2.start()
            cf2.start()

        @pl.when(b1 < NBLK)
        def _():
            cx1, cf1 = _in_copies(x_hbm, f_hbm, xbs[1], fbs[1], sems[1], b1)
            cx1.wait()
            cf1.wait()
            accv[...] = _masked_block_sum(xbs[1], fbs[1], accv[...])

        return 0

    lax.fori_loop(0, NPAIR, step, 0)
    pltpu.sync_copy(accv, out_hbm.at[pl.ds(w * LANES, LANES)])


@functools.partial(
    pl.kernel,
    out_type=jax.ShapeDtypeStruct((TOTAL,), jnp.float32),
    mesh=_mesh,
    compiler_params=pltpu.CompilerParams(needs_layout_passes=False),
    scratch_types=[
        pltpu.VMEM((BLK,), jnp.int32),
        pltpu.VMEM((BLK,), jnp.int32),
        pltpu.VMEM((BLK,), jnp.float32),
        pltpu.VMEM((BLK,), jnp.float32),
        pltpu.VMEM((BLK,), jnp.float32),
        pltpu.VMEM((BLK,), jnp.float32),
        pltpu.VMEM((NW * LANES,), jnp.float32),
        pltpu.SemaphoreType.DMA,
        pltpu.SemaphoreType.DMA,
        pltpu.SemaphoreType.DMA,
        pltpu.SemaphoreType.DMA,
    ],
)
def _scale_kernel(
    x_hbm, f_hbm, p_hbm, y_hbm,
    xb0, xb1, fb0, fb1, yb0, yb1, pv,
    si0, si1, so0, so1,
):
    w = _wid()
    xbs, fbs, ybs = (xb0, xb1), (fb0, fb1), (yb0, yb1)
    sis, sos = (si0, si1), (so0, so1)

    pltpu.sync_copy(p_hbm, pv)
    acc = lax.fori_loop(
        0, NW, lambda j, a: a + pv[pl.ds(j * LANES, LANES)],
        jnp.zeros((LANES,), jnp.float32),
    )
    lanes = jnp.arange(LANES, dtype=jnp.int32)
    for sh in (1, 2, 4, 8):
        pv[pl.ds(0, LANES)] = acc
        acc = acc + plsc.load_gather(pv, [lanes ^ sh])
    inv = 1.0 / acc

    def out_copy(yb, blk, sem):
        return pltpu.make_async_copy(yb, y_hbm.at[pl.ds(blk * BLK, BLK)], sem)

    def compute(slot, blk):
        def body(i, _):
            base = i * (LANES * UNROLL)
            for u in range(UNROLL):
                xv = xbs[slot][pl.ds(base + u * LANES, LANES)]
                fv = fbs[slot][pl.ds(base + u * LANES, LANES)]
                ybs[slot][pl.ds(base + u * LANES, LANES)] = jnp.where(
                    xv != 0, fv * inv, 0.0
                )
            return 0

        lax.fori_loop(0, VECS // UNROLL, body, 0)
        out_copy(ybs[slot], blk, sos[slot]).start()

    cx, cf = _in_copies(x_hbm, f_hbm, xbs[0], fbs[0], sis[0], w)
    cx.start()
    cf.start()

    def step(k, _):
        b0 = w + (2 * k) * NW
        b1 = b0 + NW
        b2 = b0 + 2 * NW

        @pl.when(b1 < NBLK)
        def _():
            cx1, cf1 = _in_copies(x_hbm, f_hbm, xbs[1], fbs[1], sis[1], b1)
            cx1.start()
            cf1.start()

        @pl.when(b0 >= 2 * NW)
        def _():
            out_copy(ybs[0], b0 - 2 * NW, sos[0]).wait()

        cx0, cf0 = _in_copies(x_hbm, f_hbm, xbs[0], fbs[0], sis[0], b0)
        cx0.wait()
        cf0.wait()
        compute(0, b0)

        @pl.when(b2 < NBLK)
        def _():
            cx2, cf2 = _in_copies(x_hbm, f_hbm, xbs[0], fbs[0], sis[0], b2)
            cx2.start()
            cf2.start()

        @pl.when(b1 < NBLK)
        def _():
            @pl.when(b1 >= 2 * NW)
            def _():
                out_copy(ybs[1], b1 - 2 * NW, sos[1]).wait()

            cx1, cf1 = _in_copies(x_hbm, f_hbm, xbs[1], fbs[1], sis[1], b1)
            cx1.wait()
            cf1.wait()
            compute(1, b1)

        return 0

    lax.fori_loop(0, NPAIR, step, 0)

    last0 = w + (NPAIR - 1) * 2 * NW
    out_copy(ybs[0], last0, sos[0]).wait()
    last1 = last0 + NW

    @pl.when(last1 < NBLK)
    def _():
        out_copy(ybs[1], last1, sos[1]).wait()


def kernel(t, x, f):
    del t
    partials = _psum_kernel(x, f)
    return _scale_kernel(x, f, partials)

# --- scband reference (transcript-rebuilt; emitter-appended) ---
"""Pipeline reference for scband-const-output-filtered-normalized-19988777795837 (READ-ONLY COPY).

The authoritative reference and input builder live on the scoring server;
editing this copy changes nothing except your own understanding.
"""

import jax, jax.numpy as jnp
import numpy as np

N = 10000000

def setup_inputs(seed: int = 0) -> dict:
    key = jax.random.key(seed)
    k1, k2, k3 = jax.random.split(key, 3)
    t = jax.random.normal(k1, (1,), dtype=jnp.float32)
    x = jax.random.randint(k2, (N,), 0, 2, dtype=jnp.int32)
    f = jax.random.normal(k3, (N,), dtype=jnp.float32)
    return {"t": t, "x": x, "f": f}

def reference(t, x, f):
    # mask = x != 0; f_selected = f[mask]; f_normalized = f_selected / f_selected.sum()
    # y = zeros_like(f); y[mask] = f_normalized
    # Equivalent static-shape formulation: masked sum + masked scatter via where.
    mask = x != 0
    f_masked_sum = jnp.sum(jnp.where(mask, f, jnp.zeros((), dtype=f.dtype)))
    y = jnp.where(mask, f / f_masked_sum, jnp.zeros((), dtype=f.dtype))
    return y

if __name__ == "__main__":
    import jax
    _d = setup_inputs()
    print(jax.jit(kernel)(*tuple(_d.values())))

</pallas_src>

<mosaic_0001>
#map = affine_map<(d0, d1) -> (0)>
module attributes {stable_mosaic.version = 14 : i64} {
  func.func @_psum_kernel(%arg0: i32, %arg1: i32, %arg2: memref<10000000xi32, #tpu.memory_space<hbm>>, %arg3: memref<10000000xf32, #tpu.memory_space<hbm>>, %arg4: memref<512xf32, #tpu.memory_space<hbm>>, %arg5: memref<10000xi32, #tpu.memory_space<vmem>>, %arg6: memref<10000xi32, #tpu.memory_space<vmem>>, %arg7: memref<10000xf32, #tpu.memory_space<vmem>>, %arg8: memref<10000xf32, #tpu.memory_space<vmem>>, %arg9: memref<16xf32, #tpu.memory_space<vmem>>, %arg10: memref<!tpu.dma_semaphore, #tpu.memory_space<semaphore_mem>>, %arg11: memref<!tpu.dma_semaphore, #tpu.memory_space<semaphore_mem>>) attributes {dimension_semantics = [#tpu.dimension_semantics<core_parallel>, #tpu.dimension_semantics<subcore_parallel>], iteration_bounds = array<i64: 2, 16>, scalar_prefetch = 0 : i64, scratch_operands = 7 : i64, tpu.core_type = #tpu.core_type<sc_vector_subcore>, window_params = [{transform_indices = #map}, {transform_indices = #map}, {transform_indices = #map}]} {
    %mul3A = arith.constant 2 : i32
    %mul3A_0 = arith.muli %arg1, %mul3A : i32
    %add3A = arith.addi %mul3A_0, %arg0 : i32
    %mul3A_1 = arith.constant 10000 : i32
    %mul3A_2 = arith.muli %add3A, %mul3A_1 : i32
    %mul3A_3 = arith.constant 10000 : i32
    %mul3A_4 = arith.muli %add3A, %mul3A_3 : i32
    %dma_start3A = tpu.memref_slice %arg2[%mul3A_2] : memref<10000000xi32, #tpu.memory_space<hbm>> -> memref<10000xi32, #tpu.memory_space<hbm>>
    %dma_start3A_5 = tpu.memref_slice %arg2[%mul3A_2] : memref<10000000xi32, #tpu.memory_space<hbm>> -> memref<10000xi32, #tpu.memory_space<hbm>>
    tpu.enqueue_dma source(%dma_start3A_5 : memref<10000xi32, #tpu.memory_space<hbm>>) target(%arg5 : memref<10000xi32, #tpu.memory_space<vmem>>) target_semaphore(%arg10 : memref<!tpu.dma_semaphore, #tpu.memory_space<semaphore_mem>>)
    %dma_start3A_6 = tpu.memref_slice %arg3[%mul3A_4] : memref<10000000xf32, #tpu.memory_space<hbm>> -> memref<10000xf32, #tpu.memory_space<hbm>>
    %dma_start3A_7 = tpu.memref_slice %arg3[%mul3A_4] : memref<10000000xf32, #tpu.memory_space<hbm>> -> memref<10000xf32, #tpu.memory_space<hbm>>
    tpu.enqueue_dma source(%dma_start3A_7 : memref<10000xf32, #tpu.memory_space<hbm>>) target(%arg7 : memref<10000xf32, #tpu.memory_space<vmem>>) target_semaphore(%arg10 : memref<!tpu.dma_semaphore, #tpu.memory_space<semaphore_mem>>)
    %broadcast_in_dim3A = arith.constant 0.000000e+00 : f32
    %broadcast_in_dim3A_8 = vector.broadcast %broadcast_in_dim3A : f32 to vector<16xf32>
    %swap3A = arith.constant 0 : index
    %swap3A_9 = tpu.vector_load %arg9[%swap3A] {strides = array<i32>} : memref<16xf32, #tpu.memory_space<vmem>>, vector<16xf32>,
    tpu.vector_store %arg9[%swap3A], %broadcast_in_dim3A_8 {strides = array<i32>} : memref<16xf32, #tpu.memory_space<vmem>>, vector<16xf32>,
    %scan3A = arith.constant 0 : i32
    %scan3A_10 = arith.constant 0 : i32
    %scan3A_11 = arith.constant 16 : i32
    %scan3A_12 = arith.addi %scan3A_10, %scan3A_11 : i32
    %scan3A_13 = arith.constant 1 : i32
    %scan3A_14 = scf.for %scan3A_18 = %scan3A_10 to %scan3A_12 step %scan3A_13 iter_args(%scan3A_19 = %scan3A) -> (i32)  : i32 {
      %mul3A_20 = arith.constant 2 : i32
      %mul3A_21 = arith.muli %mul3A_20, %scan3A_18 : i32
      %mul3A_22 = arith.constant 32 : i32
      %mul3A_23 = arith.muli %mul3A_21, %mul3A_22 : i32
      %add3A_24 = arith.addi %add3A, %mul3A_23 : i32
      %add3A_25 = arith.constant 32 : i32
      %add3A_26 = arith.addi %add3A_24, %add3A_25 : i32
      %add3A_27 = arith.constant 64 : i32
      %add3A_28 = arith.addi %add3A_24, %add3A_27 : i32
      %lt3A = arith.constant 1000 : i32
      %lt3A_29 = arith.cmpi slt, %add3A_26, %lt3A : i32
      %convert_element_type3A = arith.extui %lt3A_29 : i1 to i32
      %cond3A = arith.constant 0 : i32
      %cond3A_30 = arith.cmpi ne, %convert_element_type3A, %cond3A : i32
      scf.if %cond3A_30 {
        %mul3A_58 = arith.constant 10000 : i32
        %mul3A_59 = arith.muli %add3A_26, %mul3A_58 : i32
        %mul3A_60 = arith.constant 10000 : i32
        %mul3A_61 = arith.muli %add3A_26, %mul3A_60 : i32
        %dma_start3A_62 = tpu.memref_slice %arg2[%mul3A_59] : memref<10000000xi32, #tpu.memory_space<hbm>> -> memref<10000xi32, #tpu.memory_space<hbm>>
        %dma_start3A_63 = tpu.memref_slice %arg2[%mul3A_59] : memref<10000000xi32, #tpu.memory_space<hbm>> -> memref<10000xi32, #tpu.memory_space<hbm>>
        tpu.enqueue_dma source(%dma_start3A_63 : memref<10000xi32, #tpu.memory_space<hbm>>) target(%arg6 : memref<10000xi32, #tpu.memory_space<vmem>>) target_semaphore(%arg11 : memref<!tpu.dma_semaphore, #tpu.memory_space<semaphore_mem>>)
        %dma_start3A_64 = tpu.memref_slice %arg3[%mul3A_61] : memref<10000000xf32, #tpu.memory_space<hbm>> -> memref<10000xf32, #tpu.memory_space<hbm>>
        %dma_start3A_65 = tpu.memref_slice %arg3[%mul3A_61] : memref<10000000xf32, #tpu.memory_space<hbm>> -> memref<10000xf32, #tpu.memory_space<hbm>>
        tpu.enqueue_dma source(%dma_start3A_65 : memref<10000xf32, #tpu.memory_space<hbm>>) target(%arg8 : memref<10000xf32, #tpu.memory_space<vmem>>) target_semaphore(%arg11 : memref<!tpu.dma_semaphore, #tpu.memory_space<semaphore_mem>>)
      } else {
      }
      %mul3A_31 = arith.constant 10000 : i32
      %mul3A_32 = arith.muli %add3A_24, %mul3A_31 : i32
      %mul3A_33 = arith.constant 10000 : i32
      %mul3A_34 = arith.muli %add3A_24, %mul3A_33 : i32
      %dma_wait3A = tpu.memref_slice %arg2[%mul3A_32] : memref<10000000xi32, #tpu.memory_space<hbm>> -> memref<10000xi32, #tpu.memory_space<hbm>>
      %dma_wait3A_35 = tpu.memref_slice %arg2[%mul3A_32] : memref<10000000xi32, #tpu.memory_space<hbm>> -> memref<10000xi32, #tpu.memory_space<hbm>>
      tpu.wait_dma2 semaphore(%arg10 : memref<!tpu.dma_semaphore, #tpu.memory_space<semaphore_mem>>) src(%dma_wait3A_35 : memref<10000xi32, #tpu.memory_space<hbm>>) dst(%arg5 : memref<10000xi32, #tpu.memory_space<vmem>>)
      %dma_wait3A_36 = tpu.memref_slice %arg3[%mul3A_34] : memref<10000000xf32, #tpu.memory_space<hbm>> -> memref<10000xf32, #tpu.memory_space<hbm>>
      %dma_wait3A_37 = tpu.memref_slice %arg3[%mul3A_34] : memref<10000000xf32, #tpu.memory_space<hbm>> -> memref<10000xf32, #tpu.memory_space<hbm>>
      tpu.wait_dma2 semaphore(%arg10 : memref<!tpu.dma_semaphore, #tpu.memory_space<semaphore_mem>>) src(%dma_wait3A_37 : memref<10000xf32, #tpu.memory_space<hbm>>) dst(%arg7 : memref<10000xf32, #tpu.memory_space<vmem>>)
      %get3A = arith.constant 0 : index
      %get3A_38 = tpu.vector_load %arg9[%get3A] {strides = array<i32>} : memref<16xf32, #tpu.memory_space<vmem>>, vector<16xf32>,
      %scan3A_39 = arith.constant 0 : i32
      %scan3A_40 = arith.constant 125 : i32
      %scan3A_41 = arith.addi %scan3A_39, %scan3A_40 : i32
      %scan3A_42 = arith.constant 1 : i32
      %scan3A_43 = scf.for %scan3A_58 = %scan3A_39 to %scan3A_41 step %scan3A_42 iter_args(%scan3A_59 = %get3A_38) -> (vector<16xf32>)  : i32 {
        %mul3A_60 = arith.constant 80 : i32
        %mul3A_61 = arith.muli %scan3A_58, %mul3A_60 : i32
        %add3A_62 = arith.constant 0 : i32
        %add3A_63 = arith.addi %mul3A_61, %add3A_62 : i32
        %get3A_64 = arith.index_cast %add3A_63 : i32 to index
        %get3A_65 = tpu.vector_load %arg5[%get3A_64] {strides = array<i32>} : memref<10000xi32, #tpu.memory_space<vmem>>, vector<16xi32>,
        %add3A_66 = arith.constant 0 : i32
        %add3A_67 = arith.addi %mul3A_61, %add3A_66 : i32
        %get3A_68 = arith.index_cast %add3A_67 : i32 to index
        %get3A_69 = tpu.vector_load %arg7[%get3A_68] {strides = array<i32>} : memref<10000xf32, #tpu.memory_space<vmem>>, vector<16xf32>,
        %ne3A = arith.constant 0 : i32
        %ne3A_70 = vector.broadcast %ne3A : i32 to vector<16xi32>
        %ne3A_71 = arith.cmpi ne, %get3A_65, %ne3A_70 : vector<16xi32>
        %jit3A = arith.constant 0.000000e+00 : f32
        %broadcast_in_dim3A_72 = vector.broadcast %jit3A : f32 to vector<16xf32>
        %select_n3A = arith.select %ne3A_71, %get3A_69, %broadcast_in_dim3A_72 : vector<16xi1>, vector<16xf32>
        %add3A_73 = arith.addf %scan3A_59, %select_n3A : vector<16xf32>
        %add3A_74 = arith.constant 16 : i32
        %add3A_75 = arith.addi %mul3A_61, %add3A_74 : i32
        %get3A_76 = arith.index_cast %add3A_75 : i32 to index
        %get3A_77 = tpu.vector_load %arg5[%get3A_76] {strides = array<i32>} : memref<10000xi32, #tpu.memory_space<vmem>>, vector<16xi32>,
        %add3A_78 = arith.constant 16 : i32
        %add3A_79 = arith.addi %mul3A_61, %add3A_78 : i32
        %get3A_80 = arith.index_cast %add3A_79 : i32 to index
        %get3A_81 = tpu.vector_load %arg7[%get3A_80] {strides = array<i32>} : memref<10000xf32, #tpu.memory_space<vmem>>, vector<16xf32>,
        %ne3A_82 = arith.constant 0 : i32
        %ne3A_83 = vector.broadcast %ne3A_82 : i32 to vector<16xi32>
        %ne3A_84 = arith.cmpi ne, %get3A_77, %ne3A_83 : vector<16xi32>
        %jit3A_85 = arith.constant 0.000000e+00 : f32
        %broadcast_in_dim3A_86 = vector.broadcast %jit3A_85 : f32 to vector<16xf32>
        %select_n3A_87 = arith.select %ne3A_84, %get3A_81, %broadcast_in_dim3A_86 : vector<16xi1>, vector<16xf32>
        %add3A_88 = arith.addf %add3A_73, %select_n3A_87 : vector<16xf32>
        %add3A_89 = arith.constant 32 : i32
        %add3A_90 = arith.addi %mul3A_61, %add3A_89 : i32
        %get3A_91 = arith.index_cast %add3A_90 : i32 to index
        %get3A_92 = tpu.vector_load %arg5[%get3A_91] {strides = array<i32>} : memref<10000xi32, #tpu.memory_space<vmem>>, vector<16xi32>,
        %add3A_93 = arith.constant 32 : i32
        %add3A_94 = arith.addi %mul3A_61, %add3A_93 : i32
        %get3A_95 = arith.index_cast %add3A_94 : i32 to index
        %get3A_96 = tpu.vector_load %arg7[%get3A_95] {strides = array<i32>} : memref<10000xf32, #tpu.memory_space<vmem>>, vector<16xf32>,
        %ne3A_97 = arith.constant 0 : i32
        %ne3A_98 = vector.broadcast %ne3A_97 : i32 to vector<16xi32>
        %ne3A_99 = arith.cmpi ne, %get3A_92, %ne3A_98 : vector<16xi32>
        %jit3A_100 = arith.constant 0.000000e+00 : f32
        %broadcast_in_dim3A_101 = vector.broadcast %jit3A_100 : f32 to vector<16xf32>
        %select_n3A_102 = arith.select %ne3A_99, %get3A_96, %broadcast_in_dim3A_101 : vector<16xi1>, vector<16xf32>
        %add3A_103 = arith.addf %add3A_88, %select_n3A_102 : vector<16xf32>
        %add3A_104 = arith.constant 48 : i32
        %add3A_105 = arith.addi %mul3A_61, %add3A_104 : i32
        %get3A_106 = arith.index_cast %add3A_105 : i32 to index
        %get3A_107 = tpu.vector_load %arg5[%get3A_106] {strides = array<i32>} : memref<10000xi32, #tpu.memory_space<vmem>>, vector<16xi32>,
        %add3A_108 = arith.constant 48 : i32
        %add3A_109 = arith.addi %mul3A_61, %add3A_108 : i32
        %get3A_110 = arith.index_cast %add3A_109 : i32 to index
        %get3A_111 = tpu.vector_load %arg7[%get3A_110] {strides = array<i32>} : memref<10000xf32, #tpu.memory_space<vmem>>, vector<16xf32>,
        %ne3A_112 = arith.constant 0 : i32
        %ne3A_113 = vector.broadcast %ne3A_112 : i32 to vector<16xi32>
        %ne3A_114 = arith.cmpi ne, %get3A_107, %ne3A_113 : vector<16xi32>
        %jit3A_115 = arith.constant 0.000000e+00 : f32
        %broadcast_in_dim3A_116 = vector.broadcast %jit3A_115 : f32 to vector<16xf32>
        %select_n3A_117 = arith.select %ne3A_114, %get3A_111, %broadcast_in_dim3A_116 : vector<16xi1>, vector<16xf32>
        %add3A_118 = arith.addf %add3A_103, %select_n3A_117 : vector<16xf32>
        %add3A_119 = arith.constant 64 : i32
        %add3A_120 = arith.addi %mul3A_61, %add3A_119 : i32
        %get3A_121 = arith.index_cast %add3A_120 : i32 to index
        %get3A_122 = tpu.vector_load %arg5[%get3A_121] {strides = array<i32>} : memref<10000xi32, #tpu.memory_space<vmem>>, vector<16xi32>,
        %add3A_123 = arith.constant 64 : i32
        %add3A_124 = arith.addi %mul3A_61, %add3A_123 : i32
        %get3A_125 = arith.index_cast %add3A_124 : i32 to index
        %get3A_126 = tpu.vector_load %arg7[%get3A_125] {strides = array<i32>} : memref<10000xf32, #tpu.memory_space<vmem>>, vector<16xf32>,
        %ne3A_127 = arith.constant 0 : i32
        %ne3A_128 = vector.broadcast %ne3A_127 : i32 to vector<16xi32>
        %ne3A_129 = arith.cmpi ne, %get3A_122, %ne3A_128 : vector<16xi32>
        %jit3A_130 = arith.constant 0.000000e+00 : f32
        %broadcast_in_dim3A_131 = vector.broadcast %jit3A_130 : f32 to vector<16xf32>
        %select_n3A_132 = arith.select %ne3A_129, %get3A_126, %broadcast_in_dim3A_131 : vector<16xi1>, vector<16xf32>
        %add3A_133 = arith.addf %add3A_118, %select_n3A_132 : vector<16xf32>
        scf.yield %add3A_133 : vector<16xf32>
      }
      %scan3A_44 = arith.constant 125 : i32
      %swap3A_45 = arith.constant 0 : index
      %swap3A_46 = tpu.vector_load %arg9[%swap3A_45] {strides = array<i32>} : memref<16xf32, #tpu.memory_space<vmem>>, vector<16xf32>,
      tpu.vector_store %arg9[%swap3A_45], %scan3A_43 {strides = array<i32>} : memref<16xf32, #tpu.memory_space<vmem>>, vector<16xf32>,
      %lt3A_47 = arith.constant 1000 : i32
      %lt3A_48 = arith.cmpi slt, %add3A_28, %lt3A_47 : i32
      %convert_element_type3A_49 = arith.extui %lt3A_48 : i1 to i32
      %cond3A_50 = arith.constant 0 : i32
      %cond3A_51 = arith.cmpi ne, %convert_element_type3A_49, %cond3A_50 : i32
      scf.if %cond3A_51 {
        %mul3A_58 = arith.constant 10000 : i32
        %mul3A_59 = arith.muli %add3A_28, %mul3A_58 : i32
        %mul3A_60 = arith.constant 10000 : i32
        %mul3A_61 = arith.muli %add3A_28, %mul3A_60 : i32
        %dma_start3A_62 = tpu.memref_slice %arg2[%mul3A_59] : memref<10000000xi32, #tpu.memory_space<hbm>> -> memref<10000xi32, #tpu.memory_space<hbm>>
        %dma_start3A_63 = tpu.memref_slice %arg2[%mul3A_59] : memref<10000000xi32, #tpu.memory_space<hbm>> -> memref<10000xi32, #tpu.memory_space<hbm>>
        tpu.enqueue_dma source(%dma_start3A_63 : memref<10000xi32, #tpu.memory_space<hbm>>) target(%arg5 : memref<10000xi32, #tpu.memory_space<vmem>>) target_semaphore(%arg10 : memref<!tpu.dma_semaphore, #tpu.memory_space<semaphore_mem>>)
        %dma_start3A_64 = tpu.memref_slice %arg3[%mul3A_61] : memref<10000000xf32, #tpu.memory_space<hbm>> -> memref<10000xf32, #tpu.memory_space<hbm>>
        %dma_start3A_65 = tpu.memref_slice %arg3[%mul3A_61] : memref<10000000xf32, #tpu.memory_space<hbm>> -> memref<10000xf32, #tpu.memory_space<hbm>>
        tpu.enqueue_dma source(%dma_start3A_65 : memref<10000xf32, #tpu.memory_space<hbm>>) target(%arg7 : memref<10000xf32, #tpu.memory_space<vmem>>) target_semaphore(%arg10 : memref<!tpu.dma_semaphore, #tpu.memory_space<semaphore_mem>>)
      } else {
      }
      %lt3A_52 = arith.constant 1000 : i32
      %lt3A_53 = arith.cmpi slt, %add3A_26, %lt3A_52 : i32
      %convert_element_type3A_54 = arith.extui %lt3A_53 : i1 to i32
      %cond3A_55 = arith.constant 0 : i32
      %cond3A_56 = arith.cmpi ne, %convert_element_type3A_54, %cond3A_55 : i32
      scf.if %cond3A_56 {
        %mul3A_58 = arith.constant 10000 : i32
        %mul3A_59 = arith.muli %add3A_26, %mul3A_58 : i32
        %mul3A_60 = arith.constant 10000 : i32
        %mul3A_61 = arith.muli %add3A_26, %mul3A_60 : i32
        %dma_wait3A_62 = tpu.memref_slice %arg2[%mul3A_59] : memref<10000000xi32, #tpu.memory_space<hbm>> -> memref<10000xi32, #tpu.memory_space<hbm>>
        %dma_wait3A_63 = tpu.memref_slice %arg2[%mul3A_59] : memref<10000000xi32, #tpu.memory_space<hbm>> -> memref<10000xi32, #tpu.memory_space<hbm>>
        tpu.wait_dma2 semaphore(%arg11 : memref<!tpu.dma_semaphore, #tpu.memory_space<semaphore_mem>>) src(%dma_wait3A_63 : memref<10000xi32, #tpu.memory_space<hbm>>) dst(%arg6 : memref<10000xi32, #tpu.memory_space<vmem>>)
        %dma_wait3A_64 = tpu.memref_slice %arg3[%mul3A_61] : memref<10000000xf32, #tpu.memory_space<hbm>> -> memref<10000xf32, #tpu.memory_space<hbm>>
        %dma_wait3A_65 = tpu.memref_slice %arg3[%mul3A_61] : memref<10000000xf32, #tpu.memory_space<hbm>> -> memref<10000xf32, #tpu.memory_space<hbm>>
        tpu.wait_dma2 semaphore(%arg11 : memref<!tpu.dma_semaphore, #tpu.memory_space<semaphore_mem>>) src(%dma_wait3A_65 : memref<10000xf32, #tpu.memory_space<hbm>>) dst(%arg8 : memref<10000xf32, #tpu.memory_space<vmem>>)
        %get3A_66 = arith.constant 0 : index
        %get3A_67 = tpu.vector_load %arg9[%get3A_66] {strides = array<i32>} : memref<16xf32, #tpu.memory_space<vmem>>, vector<16xf32>,
        %scan3A_68 = arith.constant 0 : i32
        %scan3A_69 = arith.constant 125 : i32
        %scan3A_70 = arith.addi %scan3A_68, %scan3A_69 : i32
        %scan3A_71 = arith.constant 1 : i32
        %scan3A_72 = scf.for %scan3A_76 = %scan3A_68 to %scan3A_70 step %scan3A_71 iter_args(%scan3A_77 = %get3A_67) -> (vector<16xf32>)  : i32 {
          %mul3A_78 = arith.constant 80 : i32
          %mul3A_79 = arith.muli %scan3A_76, %mul3A_78 : i32
          %add3A_80 = arith.constant 0 : i32
          %add3A_81 = arith.addi %mul3A_79, %add3A_80 : i32
          %get3A_82 = arith.index_cast %add3A_81 : i32 to index
          %get3A_83 = tpu.vector_load %arg6[%get3A_82] {strides = array<i32>} : memref<10000xi32, #tpu.memory_space<vmem>>, vector<16xi32>,
          %add3A_84 = arith.constant 0 : i32
          %add3A_85 = arith.addi %mul3A_79, %add3A_84 : i32
          %get3A_86 = arith.index_cast %add3A_85 : i32 to index
          %get3A_87 = tpu.vector_load %arg8[%get3A_86] {strides = array<i32>} : memref<10000xf32, #tpu.memory_space<vmem>>, vector<16xf32>,
          %ne3A = arith.constant 0 : i32
          %ne3A_88 = vector.broadcast %ne3A : i32 to vector<16xi32>
          %ne3A_89 = arith.cmpi ne, %get3A_83, %ne3A_88 : vector<16xi32>
          %jit3A = arith.constant 0.000000e+00 : f32
          %broadcast_in_dim3A_90 = vector.broadcast %jit3A : f32 to vector<16xf32>
          %select_n3A = arith.select %ne3A_89, %get3A_87, %broadcast_in_dim3A_90 : vector<16xi1>, vector<16xf32>
          %add3A_91 = arith.addf %scan3A_77, %select_n3A : vector<16xf32>
          %add3A_92 = arith.constant 16 : i32
          %add3A_93 = arith.addi %mul3A_79, %add3A_92 : i32
          %get3A_94 = arith.index_cast %add3A_93 : i32 to index
          %get3A_95 = tpu.vector_load %arg6[%get3A_94] {strides = array<i32>} : memref<10000xi32, #tpu.memory_space<vmem>>, vector<16xi32>,
          %add3A_96 = arith.constant 16 : i32
          %add3A_97 = arith.addi %mul3A_79, %add3A_96 : i32
          %get3A_98 = arith.index_cast %add3A_97 : i32 to index
          %get3A_99 = tpu.vector_load %arg8[%get3A_98] {strides = array<i32>} : memref<10000xf32, #tpu.memory_space<vmem>>, vector<16xf32>,
          %ne3A_100 = arith.constant 0 : i32
          %ne3A_101 = vector.broadcast %ne3A_100 : i32 to vector<16xi32>
          %ne3A_102 = arith.cmpi ne, %get3A_95, %ne3A_101 : vector<16xi32>
          %jit3A_103 = arith.constant 0.000000e+00 : f32
          %broadcast_in_dim3A_104 = vector.broadcast %jit3A_103 : f32 to vector<16xf32>
          %select_n3A_105 = arith.select %ne3A_102, %get3A_99, %broadcast_in_dim3A_104 : vector<16xi1>, vector<16xf32>
          %add3A_106 = arith.addf %add3A_91, %select_n3A_105 : vector<16xf32>
          %add3A_107 = arith.constant 32 : i32
          %add3A_108 = arith.addi %mul3A_79, %add3A_107 : i32
          %get3A_109 = arith.index_cast %add3A_108 : i32 to index
          %get3A_110 = tpu.vector_load %arg6[%get3A_109] {strides = array<i32>} : memref<10000xi32, #tpu.memory_space<vmem>>, vector<16xi32>,
          %add3A_111 = arith.constant 32 : i32
          %add3A_112 = arith.addi %mul3A_79, %add3A_111 : i32
          %get3A_113 = arith.index_cast %add3A_112 : i32 to index
          %get3A_114 = tpu.vector_load %arg8[%get3A_113] {strides = array<i32>} : memref<10000xf32, #tpu.memory_space<vmem>>, vector<16xf32>,
          %ne3A_115 = arith.constant 0 : i32
          %ne3A_116 = vector.broadcast %ne3A_115 : i32 to vector<16xi32>
          %ne3A_117 = arith.cmpi ne, %get3A_110, %ne3A_116 : vector<16xi32>
          %jit3A_118 = arith.constant 0.000000e+00 : f32
          %broadcast_in_dim3A_119 = vector.broadcast %jit3A_118 : f32 to vector<16xf32>
          %select_n3A_120 = arith.select %ne3A_117, %get3A_114, %broadcast_in_dim3A_119 : vector<16xi1>, vector<16xf32>
          %add3A_121 = arith.addf %add3A_106, %select_n3A_120 : vector<16xf32>
          %add3A_122 = arith.constant 48 : i32
          %add3A_123 = arith.addi %mul3A_79, %add3A_122 : i32
          %get3A_124 = arith.index_cast %add3A_123 : i32 to index
          %get3A_125 = tpu.vector_load %arg6[%get3A_124] {strides = array<i32>} : memref<10000xi32, #tpu.memory_space<vmem>>, vector<16xi32>,
          %add3A_126 = arith.constant 48 : i32
          %add3A_127 = arith.addi %mul3A_79, %add3A_126 : i32
          %get3A_128 = arith.index_cast %add3A_127 : i32 to index
          %get3A_129 = tpu.vector_load %arg8[%get3A_128] {strides = array<i32>} : memref<10000xf32, #tpu.memory_space<vmem>>, vector<16xf32>,
          %ne3A_130 = arith.constant 0 : i32
          %ne3A_131 = vector.broadcast %ne3A_130 : i32 to vector<16xi32>
          %ne3A_132 = arith.cmpi ne, %get3A_125, %ne3A_131 : vector<16xi32>
          %jit3A_133 = arith.constant 0.000000e+00 : f32
          %broadcast_in_dim3A_134 = vector.broadcast %jit3A_133 : f32 to vector<16xf32>
          %select_n3A_135 = arith.select %ne3A_132, %get3A_129, %broadcast_in_dim3A_134 : vector<16xi1>, vector<16xf32>
          %add3A_136 = arith.addf %add3A_121, %select_n3A_135 : vector<16xf32>
          %add3A_137 = arith.constant 64 : i32
          %add3A_138 = arith.addi %mul3A_79, %add3A_137 : i32
          %get3A_139 = arith.index_cast %add3A_138 : i32 to index
          %get3A_140 = tpu.vector_load %arg6[%get3A_139] {strides = array<i32>} : memref<10000xi32, #tpu.memory_space<vmem>>, vector<16xi32>,
          %add3A_141 = arith.constant 64 : i32
          %add3A_142 = arith.addi %mul3A_79, %add3A_141 : i32
          %get3A_143 = arith.index_cast %add3A_142 : i32 to index
          %get3A_144 = tpu.vector_load %arg8[%get3A_143] {strides = array<i32>} : memref<10000xf32, #tpu.memory_space<vmem>>, vector<16xf32>,
          %ne3A_145 = arith.constant 0 : i32
          %ne3A_146 = vector.broadcast %ne3A_145 : i32 to vector<16xi32>
          %ne3A_147 = arith.cmpi ne, %get3A_140, %ne3A_146 : vector<16xi32>
          %jit3A_148 = arith.constant 0.000000e+00 : f32
          %broadcast_in_dim3A_149 = vector.broadcast %jit3A_148 : f32 to vector<16xf32>
          %select_n3A_150 = arith.select %ne3A_147, %get3A_144, %broadcast_in_dim3A_149 : vector<16xi1>, vector<16xf32>
          %add3A_151 = arith.addf %add3A_136, %select_n3A_150 : vector<16xf32>
          scf.yield %add3A_151 : vector<16xf32>
        }
        %scan3A_73 = arith.constant 125 : i32
        %swap3A_74 = arith.constant 0 : index
        %swap3A_75 = tpu.vector_load %arg9[%swap3A_74] {strides = array<i32>} : memref<16xf32, #tpu.memory_space<vmem>>, vector<16xf32>,
        tpu.vector_store %arg9[%swap3A_74], %scan3A_72 {strides = array<i32>} : memref<16xf32, #tpu.memory_space<vmem>>, vector<16xf32>,
      } else {
      }
      %scan3A_57 = arith.constant 0 : i32
      scf.yield %scan3A_57 : i32
    }
    %scan3A_15 = arith.constant 16 : i32
    %mul3A_16 = arith.constant 16 : i32
    %mul3A_17 = arith.muli %add3A, %mul3A_16 : i32
    "tpu.region"() ({
      %run_scoped3A = tpu.sem_alloc : memref<!tpu.dma_semaphore, #tpu.memory_space<semaphore_mem>>
      %dma_start3A_18 = tpu.memref_slice %arg4[%mul3A_17] : memref<512xf32, #tpu.memory_space<hbm>> -> memref<16xf32, #tpu.memory_space<hbm>>
      %dma_start3A_19 = tpu.memref_slice %arg4[%mul3A_17] : memref<512xf32, #tpu.memory_space<hbm>> -> memref<16xf32, #tpu.memory_space<hbm>>
      tpu.enqueue_dma source(%arg9 : memref<16xf32, #tpu.memory_space<vmem>>) target(%dma_start3A_19 : memref<16xf32, #tpu.memory_space<hbm>>) target_semaphore(%run_scoped3A : memref<!tpu.dma_semaphore, #tpu.memory_space<semaphore_mem>>)
      %dma_wait3A = tpu.memref_slice %arg4[%mul3A_17] : memref<512xf32, #tpu.memory_space<hbm>> -> memref<16xf32, #tpu.memory_space<hbm>>
      %dma_wait3A_20 = tpu.memref_slice %arg4[%mul3A_17] : memref<512xf32, #tpu.memory_space<hbm>> -> memref<16xf32, #tpu.memory_space<hbm>>
      tpu.wait_dma2 semaphore(%run_scoped3A : memref<!tpu.dma_semaphore, #tpu.memory_space<semaphore_mem>>) src(%arg9 : memref<16xf32, #tpu.memory_space<vmem>>) dst(%dma_wait3A_20 : memref<16xf32, #tpu.memory_space<hbm>>)
      tpu.yield
    }) : () -> ()
    return
  }
}

#map = affine_map<(d0, d1) -> (0)>
module attributes {stable_mosaic.version = 14 : i64} {
  func.func @_scale_kernel(%arg0: i32, %arg1: i32, %arg2: memref<10000000xi32, #tpu.memory_space<hbm>>, %arg3: memref<10000000xf32, #tpu.memory_space<hbm>>, %arg4: memref<512xf32, #tpu.memory_space<hbm>>, %arg5: memref<10000000xf32, #tpu.memory_space<hbm>>, %arg6: memref<10000xi32, #tpu.memory_space<vmem>>, %arg7: memref<10000xi32, #tpu.memory_space<vmem>>, %arg8: memref<10000xf32, #tpu.memory_space<vmem>>, %arg9: memref<10000xf32, #tpu.memory_space<vmem>>, %arg10: memref<10000xf32, #tpu.memory_space<vmem>>, %arg11: memref<10000xf32, #tpu.memory_space<vmem>>, %arg12: memref<512xf32, #tpu.memory_space<vmem>>, %arg13: memref<!tpu.dma_semaphore, #tpu.memory_space<semaphore_mem>>, %arg14: memref<!tpu.dma_semaphore, #tpu.memory_space<semaphore_mem>>, %arg15: memref<!tpu.dma_semaphore, #tpu.memory_space<semaphore_mem>>, %arg16: memref<!tpu.dma_semaphore, #tpu.memory_space<semaphore_mem>>) attributes {dimension_semantics = [#tpu.dimension_semantics<core_parallel>, #tpu.dimension_semantics<subcore_parallel>], iteration_bounds = array<i64: 2, 16>, scalar_prefetch = 0 : i64, scratch_operands = 11 : i64, tpu.core_type = #tpu.core_type<sc_vector_subcore>, window_params = [{transform_indices = #map}, {transform_indices = #map}, {transform_indices = #map}, {transform_indices = #map}]} {
    %mul3A = arith.constant 2 : i32
    %mul3A_0 = arith.muli %arg1, %mul3A : i32
    %add3A = arith.addi %mul3A_0, %arg0 : i32
    "tpu.region"() ({
      %run_scoped3A = tpu.sem_alloc : memref<!tpu.dma_semaphore, #tpu.memory_space<semaphore_mem>>
      tpu.enqueue_dma source(%arg4 : memref<512xf32, #tpu.memory_space<hbm>>) target(%arg12 : memref<512xf32, #tpu.memory_space<vmem>>) target_semaphore(%run_scoped3A : memref<!tpu.dma_semaphore, #tpu.memory_space<semaphore_mem>>)
      tpu.wait_dma2 semaphore(%run_scoped3A : memref<!tpu.dma_semaphore, #tpu.memory_space<semaphore_mem>>) src(%arg4 : memref<512xf32, #tpu.memory_space<hbm>>) dst(%arg12 : memref<512xf32, #tpu.memory_space<vmem>>)
      tpu.yield
    }) : () -> ()
    %broadcast_in_dim3A = arith.constant 0.000000e+00 : f32
    %broadcast_in_dim3A_1 = vector.broadcast %broadcast_in_dim3A : f32 to vector<16xf32>
    %scan3A = arith.constant 0 : i32
    %scan3A_2 = arith.constant 32 : i32
    %scan3A_3 = arith.addi %scan3A, %scan3A_2 : i32
    %scan3A_4 = arith.constant 1 : i32
    %scan3A_5 = scf.for %scan3A_57 = %scan3A to %scan3A_3 step %scan3A_4 iter_args(%scan3A_58 = %broadcast_in_dim3A_1) -> (vector<16xf32>)  : i32 {
      %mul3A_59 = arith.constant 16 : i32
      %mul3A_60 = arith.muli %scan3A_57, %mul3A_59 : i32
      %get3A = arith.index_cast %mul3A_60 : i32 to index
      %get3A_61 = tpu.vector_load %arg12[%get3A] {strides = array<i32>} : memref<512xf32, #tpu.memory_space<vmem>>, vector<16xf32>,
      %add3A_62 = arith.addf %scan3A_58, %get3A_61 : vector<16xf32>
      scf.yield %add3A_62 : vector<16xf32>
    }
    %scan3A_6 = arith.constant 32 : i32
    %iota3A = tpu.iota {dimensions = array<i32: 0>} : vector<16xi32>
    %swap3A = arith.constant 0 : index
    %swap3A_7 = tpu.vector_load %arg12[%swap3A] {strides = array<i32>} : memref<512xf32, #tpu.memory_space<vmem>>, vector<16xf32>,
    tpu.vector_store %arg12[%swap3A], %scan3A_5 {strides = array<i32>} : memref<512xf32, #tpu.memory_space<vmem>>, vector<16xf32>,
    %xor3A = arith.constant 1 : i32
    %xor3A_8 = vector.broadcast %xor3A : i32 to vector<16xi32>
    %xor3A_9 = arith.xori %iota3A, %xor3A_8 : vector<16xi32>
    %gather3A = tpu.vector_load_idx %arg12[%xor3A_9] : memref<512xf32, #tpu.memory_space<vmem>>[vector<16xi32>], vector<16xf32>,
    %add3A_10 = arith.addf %scan3A_5, %gather3A : vector<16xf32>
    %swap3A_11 = arith.constant 0 : index
    %swap3A_12 = tpu.vector_load %arg12[%swap3A_11] {strides = array<i32>} : memref<512xf32, #tpu.memory_space<vmem>>, vector<16xf32>,
    tpu.vector_store %arg12[%swap3A_11], %add3A_10 {strides = array<i32>} : memref<512xf32, #tpu.memory_space<vmem>>, vector<16xf32>,
    %xor3A_13 = arith.constant 2 : i32
    %xor3A_14 = vector.broadcast %xor3A_13 : i32 to vector<16xi32>
    %xor3A_15 = arith.xori %iota3A, %xor3A_14 : vector<16xi32>
    %gather3A_16 = tpu.vector_load_idx %arg12[%xor3A_15] : memref<512xf32, #tpu.memory_space<vmem>>[vector<16xi32>], vector<16xf32>,
    %add3A_17 = arith.addf %add3A_10, %gather3A_16 : vector<16xf32>
    %swap3A_18 = arith.constant 0 : index
    %swap3A_19 = tpu.vector_load %arg12[%swap3A_18] {strides = array<i32>} : memref<512xf32, #tpu.memory_space<vmem>>, vector<16xf32>,
    tpu.vector_store %arg12[%swap3A_18], %add3A_17 {strides = array<i32>} : memref<512xf32, #tpu.memory_space<vmem>>, vector<16xf32>,
    %xor3A_20 = arith.constant 4 : i32
    %xor3A_21 = vector.broadcast %xor3A_20 : i32 to vector<16xi32>
    %xor3A_22 = arith.xori %iota3A, %xor3A_21 : vector<16xi32>
    %gather3A_23 = tpu.vector_load_idx %arg12[%xor3A_22] : memref<512xf32, #tpu.memory_space<vmem>>[vector<16xi32>], vector<16xf32>,
    %add3A_24 = arith.addf %add3A_17, %gather3A_23 : vector<16xf32>
    %swap3A_25 = arith.constant 0 : index
    %swap3A_26 = tpu.vector_load %arg12[%swap3A_25] {strides = array<i32>} : memref<512xf32, #tpu.memory_space<vmem>>, vector<16xf32>,
    tpu.vector_store %arg12[%swap3A_25], %add3A_24 {strides = array<i32>} : memref<512xf32, #tpu.memory_space<vmem>>, vector<16xf32>,
    %xor3A_27 = arith.constant 8 : i32
    %xor3A_28 = vector.broadcast %xor3A_27 : i32 to vector<16xi32>
    %xor3A_29 = arith.xori %iota3A, %xor3A_28 : vector<16xi32>
    %gather3A_30 = tpu.vector_load_idx %arg12[%xor3A_29] : memref<512xf32, #tpu.memory_space<vmem>>[vector<16xi32>], vector<16xf32>,
    %add3A_31 = arith.addf %add3A_24, %gather3A_30 : vector<16xf32>
    %div3A = arith.constant 1.000000e+00 : f32
    %div3A_32 = vector.broadcast %div3A : f32 to vector<16xf32>
    %div3A_33 = arith.divf %div3A_32, %add3A_31 : vector<16xf32>
    %mul3A_34 = arith.constant 10000 : i32
    %mul3A_35 = arith.muli %add3A, %mul3A_34 : i32
    %mul3A_36 = arith.constant 10000 : i32
    %mul3A_37 = arith.muli %add3A, %mul3A_36 : i32
    %dma_start3A = tpu.memref_slice %arg2[%mul3A_35] : memref<10000000xi32, #tpu.memory_space<hbm>> -> memref<10000xi32, #tpu.memory_space<hbm>>
    %dma_start3A_38 = tpu.memref_slice %arg2[%mul3A_35] : memref<10000000xi32, #tpu.memory_space<hbm>> -> memref<10000xi32, #tpu.memory_space<hbm>>
    tpu.enqueue_dma source(%dma_start3A_38 : memref<10000xi32, #tpu.memory_space<hbm>>) target(%arg6 : memref<10000xi32, #tpu.memory_space<vmem>>) target_semaphore(%arg13 : memref<!tpu.dma_semaphore, #tpu.memory_space<semaphore_mem>>)
    %dma_start3A_39 = tpu.memref_slice %arg3[%mul3A_37] : memref<10000000xf32, #tpu.memory_space<hbm>> -> memref<10000xf32, #tpu.memory_space<hbm>>
    %dma_start3A_40 = tpu.memref_slice %arg3[%mul3A_37] : memref<10000000xf32, #tpu.memory_space<hbm>> -> memref<10000xf32, #tpu.memory_space<hbm>>
    tpu.enqueue_dma source(%dma_start3A_40 : memref<10000xf32, #tpu.memory_space<hbm>>) target(%arg8 : memref<10000xf32, #tpu.memory_space<vmem>>) target_semaphore(%arg13 : memref<!tpu.dma_semaphore, #tpu.memory_space<semaphore_mem>>)
    %scan3A_41 = arith.constant 0 : i32
    %scan3A_42 = arith.constant 0 : i32
    %scan3A_43 = arith.constant 16 : i32
    %scan3A_44 = arith.addi %scan3A_42, %scan3A_43 : i32
    %scan3A_45 = arith.constant 1 : i32
    %scan3A_46 = scf.for %scan3A_57 = %scan3A_42 to %scan3A_44 step %scan3A_45 iter_args(%scan3A_58 = %scan3A_41) -> (i32)  : i32 {
      %mul3A_59 = arith.constant 2 : i32
      %mul3A_60 = arith.muli %mul3A_59, %scan3A_57 : i32
      %mul3A_61 = arith.constant 32 : i32
      %mul3A_62 = arith.muli %mul3A_60, %mul3A_61 : i32
      %add3A_63 = arith.addi %add3A, %mul3A_62 : i32
      %add3A_64 = arith.constant 32 : i32
      %add3A_65 = arith.addi %add3A_63, %add3A_64 : i32
      %add3A_66 = arith.constant 64 : i32
      %add3A_67 = arith.addi %add3A_63, %add3A_66 : i32
      %lt3A_68 = arith.constant 1000 : i32
      %lt3A_69 = arith.cmpi slt, %add3A_65, %lt3A_68 : i32
      %convert_element_type3A_70 = arith.extui %lt3A_69 : i1 to i32
      %cond3A_71 = arith.constant 0 : i32
      %cond3A_72 = arith.cmpi ne, %convert_element_type3A_70, %cond3A_71 : i32
      scf.if %cond3A_72 {
        %mul3A_107 = arith.constant 10000 : i32
        %mul3A_108 = arith.muli %add3A_65, %mul3A_107 : i32
        %mul3A_109 = arith.constant 10000 : i32
        %mul3A_110 = arith.muli %add3A_65, %mul3A_109 : i32
        %dma_start3A_111 = tpu.memref_slice %arg2[%mul3A_108] : memref<10000000xi32, #tpu.memory_space<hbm>> -> memref<10000xi32, #tpu.memory_space<hbm>>
        %dma_start3A_112 = tpu.memref_slice %arg2[%mul3A_108] : memref<10000000xi32, #tpu.memory_space<hbm>> -> memref<10000xi32, #tpu.memory_space<hbm>>
        tpu.enqueue_dma source(%dma_start3A_112 : memref<10000xi32, #tpu.memory_space<hbm>>) target(%arg7 : memref<10000xi32, #tpu.memory_space<vmem>>) target_semaphore(%arg14 : memref<!tpu.dma_semaphore, #tpu.memory_space<semaphore_mem>>)
        %dma_start3A_113 = tpu.memref_slice %arg3[%mul3A_110] : memref<10000000xf32, #tpu.memory_space<hbm>> -> memref<10000xf32, #tpu.memory_space<hbm>>
        %dma_start3A_114 = tpu.memref_slice %arg3[%mul3A_110] : memref<10000000xf32, #tpu.memory_space<hbm>> -> memref<10000xf32, #tpu.memory_space<hbm>>
        tpu.enqueue_dma source(%dma_start3A_114 : memref<10000xf32, #tpu.memory_space<hbm>>) target(%arg9 : memref<10000xf32, #tpu.memory_space<vmem>>) target_semaphore(%arg14 : memref<!tpu.dma_semaphore, #tpu.memory_space<semaphore_mem>>)
      } else {
      }
      %ge3A = arith.constant 64 : i32
      %ge3A_73 = arith.cmpi sge, %add3A_63, %ge3A : i32
      %convert_element_type3A_74 = arith.extui %ge3A_73 : i1 to i32
      %cond3A_75 = arith.constant 0 : i32
      %cond3A_76 = arith.cmpi ne, %convert_element_type3A_74, %cond3A_75 : i32
      scf.if %cond3A_76 {
        %sub3A = arith.constant 64 : i32
        %sub3A_107 = arith.subi %add3A_63, %sub3A : i32
        %mul3A_108 = arith.constant 10000 : i32
        %mul3A_109 = arith.muli %sub3A_107, %mul3A_108 : i32
        %dma_wait3A_110 = tpu.memref_slice %arg5[%mul3A_109] : memref<10000000xf32, #tpu.memory_space<hbm>> -> memref<10000xf32, #tpu.memory_space<hbm>>
        %dma_wait3A_111 = tpu.memref_slice %arg5[%mul3A_109] : memref<10000000xf32, #tpu.memory_space<hbm>> -> memref<10000xf32, #tpu.memory_space<hbm>>
        tpu.wait_dma2 semaphore(%arg15 : memref<!tpu.dma_semaphore, #tpu.memory_space<semaphore_mem>>) src(%arg10 : memref<10000xf32, #tpu.memory_space<vmem>>) dst(%dma_wait3A_111 : memref<10000xf32, #tpu.memory_space<hbm>>)
      } else {
      }
      %mul3A_77 = arith.constant 10000 : i32
      %mul3A_78 = arith.muli %add3A_63, %mul3A_77 : i32
      %mul3A_79 = arith.constant 10000 : i32
      %mul3A_80 = arith.muli %add3A_63, %mul3A_79 : i32
      %dma_wait3A_81 = tpu.memref_slice %arg2[%mul3A_78] : memref<10000000xi32, #tpu.memory_space<hbm>> -> memref<10000xi32, #tpu.memory_space<hbm>>
      %dma_wait3A_82 = tpu.memref_slice %arg2[%mul3A_78] : memref<10000000xi32, #tpu.memory_space<hbm>> -> memref<10000xi32, #tpu.memory_space<hbm>>
      tpu.wait_dma2 semaphore(%arg13 : memref<!tpu.dma_semaphore, #tpu.memory_space<semaphore_mem>>) src(%dma_wait3A_82 : memref<10000xi32, #tpu.memory_space<hbm>>) dst(%arg6 : memref<10000xi32, #tpu.memory_space<vmem>>)
      %dma_wait3A_83 = tpu.memref_slice %arg3[%mul3A_80] : memref<10000000xf32, #tpu.memory_space<hbm>> -> memref<10000xf32, #tpu.memory_space<hbm>>
      %dma_wait3A_84 = tpu.memref_slice %arg3[%mul3A_80] : memref<10000000xf32, #tpu.memory_space<hbm>> -> memref<10000xf32, #tpu.memory_space<hbm>>
      tpu.wait_dma2 semaphore(%arg13 : memref<!tpu.dma_semaphore, #tpu.memory_space<semaphore_mem>>) src(%dma_wait3A_84 : memref<10000xf32, #tpu.memory_space<hbm>>) dst(%arg8 : memref<10000xf32, #tpu.memory_space<vmem>>)
      %scan3A_85 = arith.constant 0 : i32
      %scan3A_86 = arith.constant 0 : i32
      %scan3A_87 = arith.constant 125 : i32
      %scan3A_88 = arith.addi %scan3A_86, %scan3A_87 : i32
      %scan3A_89 = arith.constant 1 : i32
      %scan3A_90 = scf.for %scan3A_107 = %scan3A_86 to %scan3A_88 step %scan3A_89 iter_args(%scan3A_108 = %scan3A_85) -> (i32)  : i32 {
        %mul3A_109 = arith.constant 80 : i32
        %mul3A_110 = arith.muli %scan3A_107, %mul3A_109 : i32
        %add3A_111 = arith.constant 0 : i32
        %add3A_112 = arith.addi %mul3A_110, %add3A_111 : i32
        %get3A = arith.index_cast %add3A_112 : i32 to index
        %get3A_113 = tpu.vector_load %arg6[%get3A] {strides = array<i32>} : memref<10000xi32, #tpu.memory_space<vmem>>, vector<16xi32>,
        %add3A_114 = arith.constant 0 : i32
        %add3A_115 = arith.addi %mul3A_110, %add3A_114 : i32
        %get3A_116 = arith.index_cast %add3A_115 : i32 to index
        %get3A_117 = tpu.vector_load %arg8[%get3A_116] {strides = array<i32>} : memref<10000xf32, #tpu.memory_space<vmem>>, vector<16xf32>,
        %ne3A = arith.constant 0 : i32
        %ne3A_118 = vector.broadcast %ne3A : i32 to vector<16xi32>
        %ne3A_119 = arith.cmpi ne, %get3A_113, %ne3A_118 : vector<16xi32>
        %mul3A_120 = arith.mulf %get3A_117, %div3A_33 : vector<16xf32>
        %jit3A = arith.constant 0.000000e+00 : f32
        %broadcast_in_dim3A_121 = vector.broadcast %jit3A : f32 to vector<16xf32>
        %select_n3A = arith.select %ne3A_119, %mul3A_120, %broadcast_in_dim3A_121 : vector<16xi1>, vector<16xf32>
        %add3A_122 = arith.constant 0 : i32
        %add3A_123 = arith.addi %mul3A_110, %add3A_122 : i32
        %swap3A_124 = arith.index_cast %add3A_123 : i32 to index
        %swap3A_125 = tpu.vector_load %arg10[%swap3A_124] {strides = array<i32>} : memref<10000xf32, #tpu.memory_space<vmem>>, vector<16xf32>,
        tpu.vector_store %arg10[%swap3A_124], %select_n3A {strides = array<i32>} : memref<10000xf32, #tpu.memory_space<vmem>>, vector<16xf32>,
        %add3A_126 = arith.constant 16 : i32
        %add3A_127 = arith.addi %mul3A_110, %add3A_126 : i32
        %get3A_128 = arith.index_cast %add3A_127 : i32 to index
        %get3A_129 = tpu.vector_load %arg6[%get3A_128] {strides = array<i32>} : memref<10000xi32, #tpu.memory_space<vmem>>, vector<16xi32>,
        %add3A_130 = arith.constant 16 : i32
        %add3A_131 = arith.addi %mul3A_110, %add3A_130 : i32
        %get3A_132 = arith.index_cast %add3A_131 : i32 to index
        %get3A_133 = tpu.vector_load %arg8[%get3A_132] {strides = array<i32>} : memref<10000xf32, #tpu.memory_space<vmem>>, vector<16xf32>,
        %ne3A_134 = arith.constant 0 : i32
        %ne3A_135 = vector.broadcast %ne3A_134 : i32 to vector<16xi32>
        %ne3A_136 = arith.cmpi ne, %get3A_129, %ne3A_135 : vector<16xi32>
        %mul3A_137 = arith.mulf %get3A_133, %div3A_33 : vector<16xf32>
        %jit3A_138 = arith.constant 0.000000e+00 : f32
        %broadcast_in_dim3A_139 = vector.broadcast %jit3A_138 : f32 to vector<16xf32>
        %select_n3A_140 = arith.select %ne3A_136, %mul3A_137, %broadcast_in_dim3A_139 : vector<16xi1>, vector<16xf32>
        %add3A_141 = arith.constant 16 : i32
        %add3A_142 = arith.addi %mul3A_110, %add3A_141 : i32
        %swap3A_143 = arith.index_cast %add3A_142 : i32 to index
        %swap3A_144 = tpu.vector_load %arg10[%swap3A_143] {strides = array<i32>} : memref<10000xf32, #tpu.memory_space<vmem>>, vector<16xf32>,
        tpu.vector_store %arg10[%swap3A_143], %select_n3A_140 {strides = array<i32>} : memref<10000xf32, #tpu.memory_space<vmem>>, vector<16xf32>,
        %add3A_145 = arith.constant 32 : i32
        %add3A_146 = arith.addi %mul3A_110, %add3A_145 : i32
        %get3A_147 = arith.index_cast %add3A_146 : i32 to index
        %get3A_148 = tpu.vector_load %arg6[%get3A_147] {strides = array<i32>} : memref<10000xi32, #tpu.memory_space<vmem>>, vector<16xi32>,
        %add3A_149 = arith.constant 32 : i32
        %add3A_150 = arith.addi %mul3A_110, %add3A_149 : i32
        %get3A_151 = arith.index_cast %add3A_150 : i32 to index
        %get3A_152 = tpu.vector_load %arg8[%get3A_151] {strides = array<i32>} : memref<10000xf32, #tpu.memory_space<vmem>>, vector<16xf32>,
        %ne3A_153 = arith.constant 0 : i32
        %ne3A_154 = vector.broadcast %ne3A_153 : i32 to vector<16xi32>
        %ne3A_155 = arith.cmpi ne, %get3A_148, %ne3A_154 : vector<16xi32>
        %mul3A_156 = arith.mulf %get3A_152, %div3A_33 : vector<16xf32>
        %jit3A_157 = arith.constant 0.000000e+00 : f32
        %broadcast_in_dim3A_158 = vector.broadcast %jit3A_157 : f32 to vector<16xf32>
        %select_n3A_159 = arith.select %ne3A_155, %mul3A_156, %broadcast_in_dim3A_158 : vector<16xi1>, vector<16xf32>
        %add3A_160 = arith.constant 32 : i32
        %add3A_161 = arith.addi %mul3A_110, %add3A_160 : i32
        %swap3A_162 = arith.index_cast %add3A_161 : i32 to index
        %swap3A_163 = tpu.vector_load %arg10[%swap3A_162] {strides = array<i32>} : memref<10000xf32, #tpu.memory_space<vmem>>, vector<16xf32>,
        tpu.vector_store %arg10[%swap3A_162], %select_n3A_159 {strides = array<i32>} : memref<10000xf32, #tpu.memory_space<vmem>>, vector<16xf32>,
        %add3A_164 = arith.constant 48 : i32
        %add3A_165 = arith.addi %mul3A_110, %add3A_164 : i32
        %get3A_166 = arith.index_cast %add3A_165 : i32 to index
        %get3A_167 = tpu.vector_load %arg6[%get3A_166] {strides = array<i32>} : memref<10000xi32, #tpu.memory_space<vmem>>, vector<16xi32>,
        %add3A_168 = arith.constant 48 : i32
        %add3A_169 = arith.addi %mul3A_110, %add3A_168 : i32
        %get3A_170 = arith.index_cast %add3A_169 : i32 to index
        %get3A_171 = tpu.vector_load %arg8[%get3A_170] {strides = array<i32>} : memref<10000xf32, #tpu.memory_space<vmem>>, vector<16xf32>,
        %ne3A_172 = arith.constant 0 : i32
        %ne3A_173 = vector.broadcast %ne3A_172 : i32 to vector<16xi32>
        %ne3A_174 = arith.cmpi ne, %get3A_167, %ne3A_173 : vector<16xi32>
        %mul3A_175 = arith.mulf %get3A_171, %div3A_33 : vector<16xf32>
        %jit3A_176 = arith.constant 0.000000e+00 : f32
        %broadcast_in_dim3A_177 = vector.broadcast %jit3A_176 : f32 to vector<16xf32>
        %select_n3A_178 = arith.select %ne3A_174, %mul3A_175, %broadcast_in_dim3A_177 : vector<16xi1>, vector<16xf32>
        %add3A_179 = arith.constant 48 : i32
        %add3A_180 = arith.addi %mul3A_110, %add3A_179 : i32
        %swap3A_181 = arith.index_cast %add3A_180 : i32 to index
        %swap3A_182 = tpu.vector_load %arg10[%swap3A_181] {strides = array<i32>} : memref<10000xf32, #tpu.memory_space<vmem>>, vector<16xf32>,
        tpu.vector_store %arg10[%swap3A_181], %select_n3A_178 {strides = array<i32>} : memref<10000xf32, #tpu.memory_space<vmem>>, vector<16xf32>,
        %add3A_183 = arith.constant 64 : i32
        %add3A_184 = arith.addi %mul3A_110, %add3A_183 : i32
        %get3A_185 = arith.index_cast %add3A_184 : i32 to index
        %get3A_186 = tpu.vector_load %arg6[%get3A_185] {strides = array<i32>} : memref<10000xi32, #tpu.memory_space<vmem>>, vector<16xi32>,
        %add3A_187 = arith.constant 64 : i32
        %add3A_188 = arith.addi %mul3A_110, %add3A_187 : i32
        %get3A_189 = arith.index_cast %add3A_188 : i32 to index
        %get3A_190 = tpu.vector_load %arg8[%get3A_189] {strides = array<i32>} : memref<10000xf32, #tpu.memory_space<vmem>>, vector<16xf32>,
        %ne3A_191 = arith.constant 0 : i32
        %ne3A_192 = vector.broadcast %ne3A_191 : i32 to vector<16xi32>
        %ne3A_193 = arith.cmpi ne, %get3A_186, %ne3A_192 : vector<16xi32>
        %mul3A_194 = arith.mulf %get3A_190, %div3A_33 : vector<16xf32>
        %jit3A_195 = arith.constant 0.000000e+00 : f32
        %broadcast_in_dim3A_196 = vector.broadcast %jit3A_195 : f32 to vector<16xf32>
        %select_n3A_197 = arith.select %ne3A_193, %mul3A_194, %broadcast_in_dim3A_196 : vector<16xi1>, vector<16xf32>
        %add3A_198 = arith.constant 64 : i32
        %add3A_199 = arith.addi %mul3A_110, %add3A_198 : i32
        %swap3A_200 = arith.index_cast %add3A_199 : i32 to index
        %swap3A_201 = tpu.vector_load %arg10[%swap3A_200] {strides = array<i32>} : memref<10000xf32, #tpu.memory_space<vmem>>, vector<16xf32>,
        tpu.vector_store %arg10[%swap3A_200], %select_n3A_197 {strides = array<i32>} : memref<10000xf32, #tpu.memory_space<vmem>>, vector<16xf32>,
        %scan3A_202 = arith.constant 0 : i32
        scf.yield %scan3A_202 : i32
      }
      %scan3A_91 = arith.constant 125 : i32
      %mul3A_92 = arith.constant 10000 : i32
      %mul3A_93 = arith.muli %add3A_63, %mul3A_92 : i32
      %dma_start3A_94 = tpu.memref_slice %arg5[%mul3A_93] : memref<10000000xf32, #tpu.memory_space<hbm>> -> memref<10000xf32, #tpu.memory_space<hbm>>
      %dma_start3A_95 = tpu.memref_slice %arg5[%mul3A_93] : memref<10000000xf32, #tpu.memory_space<hbm>> -> memref<10000xf32, #tpu.memory_space<hbm>>
      tpu.enqueue_dma source(%arg10 : memref<10000xf32, #tpu.memory_space<vmem>>) target(%dma_start3A_95 : memref<10000xf32, #tpu.memory_space<hbm>>) target_semaphore(%arg15 : memref<!tpu.dma_semaphore, #tpu.memory_space<semaphore_mem>>)
      %lt3A_96 = arith.constant 1000 : i32
      %lt3A_97 = arith.cmpi slt, %add3A_67, %lt3A_96 : i32
      %convert_element_type3A_98 = arith.extui %lt3A_97 : i1 to i32
      %cond3A_99 = arith.constant 0 : i32
      %cond3A_100 = arith.cmpi ne, %convert_element_type3A_98, %cond3A_99 : i32
      scf.if %cond3A_100 {
        %mul3A_107 = arith.constant 10000 : i32
        %mul3A_108 = arith.muli %add3A_67, %mul3A_107 : i32
        %mul3A_109 = arith.constant 10000 : i32
        %mul3A_110 = arith.muli %add3A_67, %mul3A_109 : i32
        %dma_start3A_111 = tpu.memref_slice %arg2[%mul3A_108] : memref<10000000xi32, #tpu.memory_space<hbm>> -> memref<10000xi32, #tpu.memory_space<hbm>>
        %dma_start3A_112 = tpu.memref_slice %arg2[%mul3A_108] : memref<10000000xi32, #tpu.memory_space<hbm>> -> memref<10000xi32, #tpu.memory_space<hbm>>
        tpu.enqueue_dma source(%dma_start3A_112 : memref<10000xi32, #tpu.memory_space<hbm>>) target(%arg6 : memref<10000xi32, #tpu.memory_space<vmem>>) target_semaphore(%arg13 : memref<!tpu.dma_semaphore, #tpu.memory_space<semaphore_mem>>)
        %dma_start3A_113 = tpu.memref_slice %arg3[%mul3A_110] : memref<10000000xf32, #tpu.memory_space<hbm>> -> memref<10000xf32, #tpu.memory_space<hbm>>
        %dma_start3A_114 = tpu.memref_slice %arg3[%mul3A_110] : memref<10000000xf32, #tpu.memory_space<hbm>> -> memref<10000xf32, #tpu.memory_space<hbm>>
        tpu.enqueue_dma source(%dma_start3A_114 : memref<10000xf32, #tpu.memory_space<hbm>>) target(%arg8 : memref<10000xf32, #tpu.memory_space<vmem>>) target_semaphore(%arg13 : memref<!tpu.dma_semaphore, #tpu.memory_space<semaphore_mem>>)
      } else {
      }
      %lt3A_101 = arith.constant 1000 : i32
      %lt3A_102 = arith.cmpi slt, %add3A_65, %lt3A_101 : i32
      %convert_element_type3A_103 = arith.extui %lt3A_102 : i1 to i32
      %cond3A_104 = arith.constant 0 : i32
      %cond3A_105 = arith.cmpi ne, %convert_element_type3A_103, %cond3A_104 : i32
      scf.if %cond3A_105 {
        %ge3A_107 = arith.constant 64 : i32
        %ge3A_108 = arith.cmpi sge, %add3A_65, %ge3A_107 : i32
        %convert_element_type3A_109 = arith.extui %ge3A_108 : i1 to i32
        %cond3A_110 = arith.constant 0 : i32
        %cond3A_111 = arith.cmpi ne, %convert_element_type3A_109, %cond3A_110 : i32
        scf.if %cond3A_111 {
          %sub3A = arith.constant 64 : i32
          %sub3A_131 = arith.subi %add3A_65, %sub3A : i32
          %mul3A_132 = arith.constant 10000 : i32
          %mul3A_133 = arith.muli %sub3A_131, %mul3A_132 : i32
          %dma_wait3A_134 = tpu.memref_slice %arg5[%mul3A_133] : memref<10000000xf32, #tpu.memory_space<hbm>> -> memref<10000xf32, #tpu.memory_space<hbm>>
          %dma_wait3A_135 = tpu.memref_slice %arg5[%mul3A_133] : memref<10000000xf32, #tpu.memory_space<hbm>> -> memref<10000xf32, #tpu.memory_space<hbm>>
          tpu.wait_dma2 semaphore(%arg16 : memref<!tpu.dma_semaphore, #tpu.memory_space<semaphore_mem>>) src(%arg11 : memref<10000xf32, #tpu.memory_space<vmem>>) dst(%dma_wait3A_135 : memref<10000xf32, #tpu.memory_space<hbm>>)
        } else {
        }
        %mul3A_112 = arith.constant 10000 : i32
        %mul3A_113 = arith.muli %add3A_65, %mul3A_112 : i32
        %mul3A_114 = arith.constant 10000 : i32
        %mul3A_115 = arith.muli %add3A_65, %mul3A_114 : i32
        %dma_wait3A_116 = tpu.memref_slice %arg2[%mul3A_113] : memref<10000000xi32, #tpu.memory_space<hbm>> -> memref<10000xi32, #tpu.memory_space<hbm>>
        %dma_wait3A_117 = tpu.memref_slice %arg2[%mul3A_113] : memref<10000000xi32, #tpu.memory_space<hbm>> -> memref<10000xi32, #tpu.memory_space<hbm>>
        tpu.wait_dma2 semaphore(%arg14 : memref<!tpu.dma_semaphore, #tpu.memory_space<semaphore_mem>>) src(%dma_wait3A_117 : memref<10000xi32, #tpu.memory_space<hbm>>) dst(%arg7 : memref<10000xi32, #tpu.memory_space<vmem>>)
        %dma_wait3A_118 = tpu.memref_slice %arg3[%mul3A_115] : memref<10000000xf32, #tpu.memory_space<hbm>> -> memref<10000xf32, #tpu.memory_space<hbm>>
        %dma_wait3A_119 = tpu.memref_slice %arg3[%mul3A_115] : memref<10000000xf32, #tpu.memory_space<hbm>> -> memref<10000xf32, #tpu.memory_space<hbm>>
        tpu.wait_dma2 semaphore(%arg14 : memref<!tpu.dma_semaphore, #tpu.memory_space<semaphore_mem>>) src(%dma_wait3A_119 : memref<10000xf32, #tpu.memory_space<hbm>>) dst(%arg9 : memref<10000xf32, #tpu.memory_space<vmem>>)
        %scan3A_120 = arith.constant 0 : i32
        %scan3A_121 = arith.constant 0 : i32
        %scan3A_122 = arith.constant 125 : i32
        %scan3A_123 = arith.addi %scan3A_121, %scan3A_122 : i32
        %scan3A_124 = arith.constant 1 : i32
        %scan3A_125 = scf.for %scan3A_131 = %scan3A_121 to %scan3A_123 step %scan3A_124 iter_args(%scan3A_132 = %scan3A_120) -> (i32)  : i32 {
          %mul3A_133 = arith.constant 80 : i32
          %mul3A_134 = arith.muli %scan3A_131, %mul3A_133 : i32
          %add3A_135 = arith.constant 0 : i32
          %add3A_136 = arith.addi %mul3A_134, %add3A_135 : i32
          %get3A = arith.index_cast %add3A_136 : i32 to index
          %get3A_137 = tpu.vector_load %arg7[%get3A] {strides = array<i32>} : memref<10000xi32, #tpu.memory_space<vmem>>, vector<16xi32>,
          %add3A_138 = arith.constant 0 : i32
          %add3A_139 = arith.addi %mul3A_134, %add3A_138 : i32
          %get3A_140 = arith.index_cast %add3A_139 : i32 to index
          %get3A_141 = tpu.vector_load %arg9[%get3A_140] {strides = array<i32>} : memref<10000xf32, #tpu.memory_space<vmem>>, vector<16xf32>,
          %ne3A = arith.constant 0 : i32
          %ne3A_142 = vector.broadcast %ne3A : i32 to vector<16xi32>
          %ne3A_143 = arith.cmpi ne, %get3A_137, %ne3A_142 : vector<16xi32>
          %mul3A_144 = arith.mulf %get3A_141, %div3A_33 : vector<16xf32>
          %jit3A = arith.constant 0.000000e+00 : f32
          %broadcast_in_dim3A_145 = vector.broadcast %jit3A : f32 to vector<16xf32>
          %select_n3A = arith.select %ne3A_143, %mul3A_144, %broadcast_in_dim3A_145 : vector<16xi1>, vector<16xf32>
          %add3A_146 = arith.constant 0 : i32
          %add3A_147 = arith.addi %mul3A_134, %add3A_146 : i32
          %swap3A_148 = arith.index_cast %add3A_147 : i32 to index
          %swap3A_149 = tpu.vector_load %arg11[%swap3A_148] {strides = array<i32>} : memref<10000xf32, #tpu.memory_space<vmem>>, vector<16xf32>,
          tpu.vector_store %arg11[%swap3A_148], %select_n3A {strides = array<i32>} : memref<10000xf32, #tpu.memory_space<vmem>>, vector<16xf32>,
          %add3A_150 = arith.constant 16 : i32
          %add3A_151 = arith.addi %mul3A_134, %add3A_150 : i32
          %get3A_152 = arith.index_cast %add3A_151 : i32 to index
          %get3A_153 = tpu.vector_load %arg7[%get3A_152] {strides = array<i32>} : memref<10000xi32, #tpu.memory_space<vmem>>, vector<16xi32>,
          %add3A_154 = arith.constant 16 : i32
          %add3A_155 = arith.addi %mul3A_134, %add3A_154 : i32
          %get3A_156 = arith.index_cast %add3A_155 : i32 to index
          %get3A_157 = tpu.vector_load %arg9[%get3A_156] {strides = array<i32>} : memref<10000xf32, #tpu.memory_space<vmem>>, vector<16xf32>,
          %ne3A_158 = arith.constant 0 : i32
          %ne3A_159 = vector.broadcast %ne3A_158 : i32 to vector<16xi32>
          %ne3A_160 = arith.cmpi ne, %get3A_153, %ne3A_159 : vector<16xi32>
          %mul3A_161 = arith.mulf %get3A_157, %div3A_33 : vector<16xf32>
          %jit3A_162 = arith.constant 0.000000e+00 : f32
          %broadcast_in_dim3A_163 = vector.broadcast %jit3A_162 : f32 to vector<16xf32>
          %select_n3A_164 = arith.select %ne3A_160, %mul3A_161, %broadcast_in_dim3A_163 : vector<16xi1>, vector<16xf32>
          %add3A_165 = arith.constant 16 : i32
          %add3A_166 = arith.addi %mul3A_134, %add3A_165 : i32
          %swap3A_167 = arith.index_cast %add3A_166 : i32 to index
          %swap3A_168 = tpu.vector_load %arg11[%swap3A_167] {strides = array<i32>} : memref<10000xf32, #tpu.memory_space<vmem>>, vector<16xf32>,
          tpu.vector_store %arg11[%swap3A_167], %select_n3A_164 {strides = array<i32>} : memref<10000xf32, #tpu.memory_space<vmem>>, vector<16xf32>,
          %add3A_169 = arith.constant 32 : i32
          %add3A_170 = arith.addi %mul3A_134, %add3A_169 : i32
          %get3A_171 = arith.index_cast %add3A_170 : i32 to index
          %get3A_172 = tpu.vector_load %arg7[%get3A_171] {strides = array<i32>} : memref<10000xi32, #tpu.memory_space<vmem>>, vector<16xi32>,
          %add3A_173 = arith.constant 32 : i32
          %add3A_174 = arith.addi %mul3A_134, %add3A_173 : i32
          %get3A_175 = arith.index_cast %add3A_174 : i32 to index
          %get3A_176 = tpu.vector_load %arg9[%get3A_175] {strides = array<i32>} : memref<10000xf32, #tpu.memory_space<vmem>>, vector<16xf32>,
          %ne3A_177 = arith.constant 0 : i32
          %ne3A_178 = vector.broadcast %ne3A_177 : i32 to vector<16xi32>
          %ne3A_179 = arith.cmpi ne, %get3A_172, %ne3A_178 : vector<16xi32>
          %mul3A_180 = arith.mulf %get3A_176, %div3A_33 : vector<16xf32>
          %jit3A_181 = arith.constant 0.000000e+00 : f32
          %broadcast_in_dim3A_182 = vector.broadcast %jit3A_181 : f32 to vector<16xf32>
          %select_n3A_183 = arith.select %ne3A_179, %mul3A_180, %broadcast_in_dim3A_182 : vector<16xi1>, vector<16xf32>
          %add3A_184 = arith.constant 32 : i32
          %add3A_185 = arith.addi %mul3A_134, %add3A_184 : i32
          %swap3A_186 = arith.index_cast %add3A_185 : i32 to index
          %swap3A_187 = tpu.vector_load %arg11[%swap3A_186] {strides = array<i32>} : memref<10000xf32, #tpu.memory_space<vmem>>, vector<16xf32>,
          tpu.vector_store %arg11[%swap3A_186], %select_n3A_183 {strides = array<i32>} : memref<10000xf32, #tpu.memory_space<vmem>>, vector<16xf32>,
          %add3A_188 = arith.constant 48 : i32
          %add3A_189 = arith.addi %mul3A_134, %add3A_188 : i32
          %get3A_190 = arith.index_cast %add3A_189 : i32 to index
          %get3A_191 = tpu.vector_load %arg7[%get3A_190] {strides = array<i32>} : memref<10000xi32, #tpu.memory_space<vmem>>, vector<16xi32>,
          %add3A_192 = arith.constant 48 : i32
          %add3A_193 = arith.addi %mul3A_134, %add3A_192 : i32
          %get3A_194 = arith.index_cast %add3A_193 : i32 to index
          %get3A_195 = tpu.vector_load %arg9[%get3A_194] {strides = array<i32>} : memref<10000xf32, #tpu.memory_space<vmem>>, vector<16xf32>,
          %ne3A_196 = arith.constant 0 : i32
          %ne3A_197 = vector.broadcast %ne3A_196 : i32 to vector<16xi32>
          %ne3A_198 = arith.cmpi ne, %get3A_191, %ne3A_197 : vector<16xi32>
          %mul3A_199 = arith.mulf %get3A_195, %div3A_33 : vector<16xf32>
          %jit3A_200 = arith.constant 0.000000e+00 : f32
          %broadcast_in_dim3A_201 = vector.broadcast %jit3A_200 : f32 to vector<16xf32>
          %select_n3A_202 = arith.select %ne3A_198, %mul3A_199, %broadcast_in_dim3A_201 : vector<16xi1>, vector<16xf32>
          %add3A_203 = arith.constant 48 : i32
          %add3A_204 = arith.addi %mul3A_134, %add3A_203 : i32
          %swap3A_205 = arith.index_cast %add3A_204 : i32 to index
          %swap3A_206 = tpu.vector_load %arg11[%swap3A_205] {strides = array<i32>} : memref<10000xf32, #tpu.memory_space<vmem>>, vector<16xf32>,
          tpu.vector_store %arg11[%swap3A_205], %select_n3A_202 {strides = array<i32>} : memref<10000xf32, #tpu.memory_space<vmem>>, vector<16xf32>,
          %add3A_207 = arith.constant 64 : i32
          %add3A_208 = arith.addi %mul3A_134, %add3A_207 : i32
          %get3A_209 = arith.index_cast %add3A_208 : i32 to index
          %get3A_210 = tpu.vector_load %arg7[%get3A_209] {strides = array<i32>} : memref<10000xi32, #tpu.memory_space<vmem>>, vector<16xi32>,
          %add3A_211 = arith.constant 64 : i32
          %add3A_212 = arith.addi %mul3A_134, %add3A_211 : i32
          %get3A_213 = arith.index_cast %add3A_212 : i32 to index
          %get3A_214 = tpu.vector_load %arg9[%get3A_213] {strides = array<i32>} : memref<10000xf32, #tpu.memory_space<vmem>>, vector<16xf32>,
          %ne3A_215 = arith.constant 0 : i32
          %ne3A_216 = vector.broadcast %ne3A_215 : i32 to vector<16xi32>
          %ne3A_217 = arith.cmpi ne, %get3A_210, %ne3A_216 : vector<16xi32>
          %mul3A_218 = arith.mulf %get3A_214, %div3A_33 : vector<16xf32>
          %jit3A_219 = arith.constant 0.000000e+00 : f32
          %broadcast_in_dim3A_220 = vector.broadcast %jit3A_219 : f32 to vector<16xf32>
          %select_n3A_221 = arith.select %ne3A_217, %mul3A_218, %broadcast_in_dim3A_220 : vector<16xi1>, vector<16xf32>
          %add3A_222 = arith.constant 64 : i32
          %add3A_223 = arith.addi %mul3A_134, %add3A_222 : i32
          %swap3A_224 = arith.index_cast %add3A_223 : i32 to index
          %swap3A_225 = tpu.vector_load %arg11[%swap3A_224] {strides = array<i32>} : memref<10000xf32, #tpu.memory_space<vmem>>, vector<16xf32>,
          tpu.vector_store %arg11[%swap3A_224], %select_n3A_221 {strides = array<i32>} : memref<10000xf32, #tpu.memory_space<vmem>>, vector<16xf32>,
          %scan3A_226 = arith.constant 0 : i32
          scf.yield %scan3A_226 : i32
        }
        %scan3A_126 = arith.constant 125 : i32
        %mul3A_127 = arith.constant 10000 : i32
        %mul3A_128 = arith.muli %add3A_65, %mul3A_127 : i32
        %dma_start3A_129 = tpu.memref_slice %arg5[%mul3A_128] : memref<10000000xf32, #tpu.memory_space<hbm>> -> memref<10000xf32, #tpu.memory_space<hbm>>
        %dma_start3A_130 = tpu.memref_slice %arg5[%mul3A_128] : memref<10000000xf32, #tpu.memory_space<hbm>> -> memref<10000xf32, #tpu.memory_space<hbm>>
        tpu.enqueue_dma source(%arg11 : memref<10000xf32, #tpu.memory_space<vmem>>) target(%dma_start3A_130 : memref<10000xf32, #tpu.memory_space<hbm>>) target_semaphore(%arg16 : memref<!tpu.dma_semaphore, #tpu.memory_space<semaphore_mem>>)
      } else {
      }
      %scan3A_106 = arith.constant 0 : i32
      scf.yield %scan3A_106 : i32
    }
    %scan3A_47 = arith.constant 16 : i32
    %add3A_48 = arith.constant 960 : i32
    %add3A_49 = arith.addi %add3A, %add3A_48 : i32
    %mul3A_50 = arith.constant 10000 : i32
    %mul3A_51 = arith.muli %add3A_49, %mul3A_50 : i32
    %dma_wait3A = tpu.memref_slice %arg5[%mul3A_51] : memref<10000000xf32, #tpu.memory_space<hbm>> -> memref<10000xf32, #tpu.memory_space<hbm>>
    %dma_wait3A_52 = tpu.memref_slice %arg5[%mul3A_51] : memref<10000000xf32, #tpu.memory_space<hbm>> -> memref<10000xf32, #tpu.memory_space<hbm>>
    tpu.wait_dma2 semaphore(%arg15 : memref<!tpu.dma_semaphore, #tpu.memory_space<semaphore_mem>>) src(%arg10 : memref<10000xf32, #tpu.memory_space<vmem>>) dst(%dma_wait3A_52 : memref<10000xf32, #tpu.memory_space<hbm>>)
    %add3A_53 = arith.constant 32 : i32
    %add3A_54 = arith.addi %add3A_49, %add3A_53 : i32
    %lt3A = arith.constant 1000 : i32
    %lt3A_55 = arith.cmpi slt, %add3A_54, %lt3A : i32
    %convert_element_type3A = arith.extui %lt3A_55 : i1 to i32
    %cond3A = arith.constant 0 : i32
    %cond3A_56 = arith.cmpi ne, %convert_element_type3A, %cond3A : i32
    scf.if %cond3A_56 {
      %mul3A_57 = arith.constant 10000 : i32
      %mul3A_58 = arith.muli %add3A_54, %mul3A_57 : i32
      %dma_wait3A_59 = tpu.memref_slice %arg5[%mul3A_58] : memref<10000000xf32, #tpu.memory_space<hbm>> -> memref<10000xf32, #tpu.memory_space<hbm>>
      %dma_wait3A_60 = tpu.memref_slice %arg5[%mul3A_58] : memref<10000000xf32, #tpu.memory_space<hbm>> -> memref<10000xf32, #tpu.memory_space<hbm>>
      tpu.wait_dma2 semaphore(%arg16 : memref<!tpu.dma_semaphore, #tpu.memory_space<semaphore_mem>>) src(%arg11 : memref<10000xf32, #tpu.memory_space<vmem>>) dst(%dma_wait3A_60 : memref<10000xf32, #tpu.memory_space<hbm>>)
    } else {
    }
    return
  }
}

</mosaic_0001>

<sc_bundles>
// kernel: kernel.4.cloned.1.call-start
scs
__scs_entry_jumppad:
0x0: {  	(pc) =	sbr.rel $0x88, $3  }
0x1: {  	(tag) =	ssettag $0x0;
	lr =	simm.s32 $0x1  }
0x2: {  	[smem:$0x3F9F] =	sst lr;
	_ =	strace $0xD0000000  }
0x3: {  	_ = 	snop  }
0x4: {  	_ = 	snop  }
0x5: {  	_ = 	snop  }
0x6: {  	_ = 	snop  }
0x7: {  	_ = 	snop  }
__scs_overlays_trampoline_lowered:
0x8: {  	[smem:$0x3FAE] =	sst s0  }
0x9: {  	[smem:$0x3FAF] =	sst s1  }
0xa: {  	[smem:$0x3FB0] =	sst s2  }
0xb: {  	[smem:$0x3FB1] =	sst s3  }
0xc: {  	[smem:$0x3FB2] =	sst s4  }
0xd: {  	[smem:$0x3FB3] =	sst s5  }
0xe: {  	[smem:$0x3FB4] =	sst s6  }
0xf: {  	[smem:$0x3FB5] =	sst s7  }
0x10: {  	[smem:$0x3FB6] =	sst s8  }
0x11: {  	[smem:$0x3FB7] =	sst s9;
	s0 =	simm.s32 @!p0 $0x0  }
0x12: {  	s1 =	sld [smem:$0x3F9D];
	s0 =	simm.s32 @p0 $0x1  }
0x13: {  	[smem:$0x3FB8] =	sst s0;
	s0 =	simm.s32 @!p1 $0x0  }
0x14: {  	s2 =	sld [smem:$0x3F9C];
	s0 =	simm.s32 @p1 $0x1  }
0x15: {  	[smem:$0x3FB9] =	sst s0;
	s0 =	simm.s32 @!p2 $0x0  }
0x16: {  	s3 =	sld [smem:$0x3FDB];
	s0 =	simm.s32 @p2 $0x1  }
0x17: {  	s4 =	simm.s32 $0x1BF5;
	[smem:$0x3FBB] =	sst s0  }
0x18: {  	s0 =	sld [smem:$0x3F9E];
	_ =	swait.ge [sflag:s4], $0x0  }
0x19: {  	s7 =	sld [smem:$0x3F9F]  }
0x1a: {  	s8 =	sadd.s32 $0xFFFFE003, lr  }
0x1b: {  	s9 =	sadd.s32 $0xFFFFFEF7, lr;
	s5 =	simm.s32 $0xFFFFFFFF;
	p2 =	slt.u32 s8, $0xFFFFF086  }
0x1c: {  	p1 =	slt.u32 s9, $0xF7A;
	s5 =	simm.s32 @!p2 $0x0  }
0x1d: {  	s5 =	simm.s32 @p1 $0x1;
	p0 =	seq.s32 s7, s2  }
0x1e: {  	s7 =	smul.u32 @!p0 $0xF7A, s2;
	p2 =	seq.s32 @!p0 s5, $0x0  }
0x1f: {  	s9 =	smul.u32 $0xF7A, s1;
	s8 =	simm.s32 @!p0 $0x1BF5;
	p2 =	por !p2, p0  }
0x20: {  	[sflag:s8] =	ssyncset.s32 @!p0 $0xFFFFF086;
	s6 =	sadd.s32 @!p0 s3, s7;
	s7 =	simm.s32 @!p0 $0x108  }
0x21: {  	s3 =	sadd.s32 s3, s9;
	s6 =	sadd.s32 @!p0 $0x88, s6;
	s7 =	simm.s32 @p2 $0x1082  }
0x22: {  	[simem:s7], [sflag:s8] =	dma.local @!p0 [hbm:s6], $0xF7A  }
0x23: {  	s9 =	sor.u32 $0xD0000000, s2;
	s6 =	simm.s32 $0x108;
	_ =	swait.ge @!p0 [sflag:s8], $0x0  }
0x24: {  	s3 =	sadd.s32 $0x88, s3;
	s6 =	simm.s32 @!p1 $0x1082;
	[sflag:s4] =	ssyncset.s32 $0xFFFFF086  }
0x25: {  	[simem:s6], [sflag:s4] =	dma.local [hbm:s3], $0xF7A  }
0x26: {  	[smem:$0x3F9F] =	sst s1;
	(tag) =	ssettag s2;
	_ =	strace s9  }
0x27: {  	s1 =	sld [smem:$0x3FAF]  }
0x28: {  	s2 =	sld [smem:$0x3FB0]  }
0x29: {  	s4 =	sld [smem:$0x3FB2]  }
0x2a: {  	p0 =	seq.s32 s5, $0x0;
	s5 =	sld [smem:$0x3FB3]  }
0x2b: {  	s6 =	sld [smem:$0x3FB4]  }
0x2c: {  	s7 =	sld [smem:$0x3FB5]  }
0x2d: {  	s3 =	simm.s32 $0x108;
	s8 =	sld [smem:$0x3FB6]  }
0x2e: {  	s3 =	simm.s32 @!p0 $0x1082;
	s9 =	sld [smem:$0x3FB7]  }
0x2f: {  	lr =	sadd.s32 s0, s3;
	s0 =	sld [smem:$0x3FAE]  }
0x30: {  	s3 =	sld [smem:$0x3FB1]  }
0x31: {  	[smem:$0x3FBA] =	sst s10  }
0x32: {  	s10 =	sld [smem:$0x3FB8];
	_ =	sdelay $0x3  }
0x33: {  	p0 =	seq.s32 s10, $0x1;
	s10 =	sld [smem:$0x3FBA];
	_ =	sdelay $0x3  }
0x34: {  	[smem:$0x3FBA] =	sst s10  }
0x35: {  	s10 =	sld [smem:$0x3FB9];
	_ =	sdelay $0x3  }
0x36: {  	p1 =	seq.s32 s10, $0x1;
	s10 =	sld [smem:$0x3FBA];
	_ =	sdelay $0x3  }
0x37: {  	[smem:$0x3FBA] =	sst s10  }
0x38: {  	s10 =	sld [smem:$0x3FBB]  }
0x39: {  	_ = 	snop;
	(pc) =	sbr.ind lr, $3  }
0x3a: {  	_ = 	snop  }
0x3b: {  	_ = 	snop  }
0x3c: {  	p2 =	seq.s32 s10, $0x1;
	s10 =	sld [smem:$0x3FBA]  }
0x3d: {  	_ =	shalt  }
0x3e: {  	_ =	shalt  }
0x3f: {  	_ =	shalt  }
0x40: {  	_ =	shalt  }
0x41: {  	_ =	shalt  }
0x42: {  	_ =	shalt  }
0x43: {  	_ =	shalt  }
0x44: {  	_ =	shalt  }
0x45: {  	_ =	shalt  }
0x46: {  	_ =	shalt  }
0x47: {  	_ =	shalt  }
0x48: {  	_ =	shalt  }
0x49: {  	_ =	shalt  }
0x4a: {  	_ =	shalt  }
0x4b: {  	_ =	shalt  }
0x4c: {  	_ =	shalt  }
0x4d: {  	_ =	shalt  }
0x4e: {  	_ =	shalt  }
0x4f: {  	_ =	shalt  }
0x50: {  	_ =	shalt  }
0x51: {  	_ =	shalt  }
0x52: {  	_ =	shalt  }
0x53: {  	_ =	shalt  }
0x54: {  	_ =	shalt  }
0x55: {  	_ =	shalt  }
0x56: {  	_ =	shalt  }
0x57: {  	_ =	shalt  }
0x58: {  	_ =	shalt  }
0x59: {  	_ =	shalt  }
0x5a: {  	_ =	shalt  }
0x5b: {  	_ =	shalt  }
0x5c: {  	_ =	shalt  }
0x5d: {  	_ =	shalt  }
0x5e: {  	_ =	shalt  }
0x5f: {  	_ =	shalt  }
0x60: {  	_ =	shalt  }
0x61: {  	_ =	shalt  }
0x62: {  	_ =	shalt  }
0x63: {  	_ =	shalt  }
0x64: {  	_ =	shalt  }
0x65: {  	_ =	shalt  }
0x66: {  	_ =	shalt  }
0x67: {  	_ =	shalt  }
0x68: {  	_ =	shalt  }
0x69: {  	_ =	shalt  }
0x6a: {  	_ =	shalt  }
0x6b: {  	_ =	shalt  }
0x6c: {  	_ =	shalt  }
0x6d: {  	_ =	shalt  }
0x6e: {  	_ =	shalt  }
0x6f: {  	_ =	shalt  }
0x70: {  	_ =	shalt  }
0x71: {  	_ =	shalt  }
0x72: {  	_ =	shalt  }
0x73: {  	_ =	shalt  }
0x74: {  	_ =	shalt  }
0x75: {  	_ =	shalt  }
0x76: {  	_ =	shalt  }
0x77: {  	_ =	shalt  }
0x78: {  	_ =	shalt  }
0x79: {  	_ =	shalt  }
0x7a: {  	_ =	shalt  }
0x7b: {  	_ =	shalt  }
0x7c: {  	_ =	shalt  }
0x7d: {  	_ =	shalt  }
0x7e: {  	_ =	shalt  }
0x7f: {  	_ =	shalt  }
0x80: {  	_ =	shalt  }
0x81: {  	_ =	shalt  }
0x82: {  	_ =	shalt  }
0x83: {  	_ =	shalt  }
0x84: {  	_ =	shalt  }
0x85: {  	_ =	shalt  }
0x86: {  	_ =	shalt  }
0x87: {  	_ =	shalt  }
.Lfunc_end0:
.L_simem_size_0:
called_computation_lowered:
.L_overlay_start_0:
0x88: {  	s2 =	sld [smem:$0x3FD9]  }
0x89: {  	s3 =	sld [smem:$0x3FFE];
	_ =	sdelay $0x1  }
0x8a: {  	s1 =	srdreg.scid  }
0x8b: {  	s0 =	sand.u32 $0x1, s1  }
0x8c: {  	s17 =	sshll.u32 s0, $0xA;
	s2 =	sadd.s32 s3, s2  }
0x8d: {  	s2 =	sadd.s32 s2, s17  }
0x8e: {  	[smem:$0x3FC6] =	sst s2  }
0x8f: {  	_ = 	snop  }
0x90: {  	s2 =	sld [smem:$0x3FC9]  }
0x91: {  	s18 =	sld [smem:$0x3FC8];
	(tm) =	ssettm $0x1  }
0x92: {  	s4 =	sld [smem:$0x3FFB];
	_ =	sdelay $0x3  }
0x93: {  	_ =	strace s4  }
0x94: {  	s4 =	sld [smem:$0x3FFC];
	_ =	sdelay $0x3  }
0x95: {  	_ =	strace s4  }
0x96: {  	s4 =	sld [smem:$0x3FFD];
	_ =	sdelay $0x3  }
0x97: {  	_ =	strace s4  }
0x98: {  	_ =	strace $0x8FFFFFFF  }
0x99: {  	s19 =	sld [smem:$0x3FDB];
	_ =	sdelay $0x1  }
0x9a: {  	s5 =	simm.s32 $_scs_section_size  }
0x9b: {  	s6 =	simm.s32 $_size__tile_overlayer_lowered;
	s7 =	simm.s32 $_tile_overlayer_lowered  }
0x9c: {  	s22 =	simm.s32 $0x1BFF;
	s21 =	sshll.u32 s7, $0x1;
	s4 =	sadd.s32 s5, s19  }
0x9d: {  	s8 =	simm.s32 $0x0;
	s20 =	sshll.u32 s6, $0x1;
	s6 =	sadd.s32 s21, s4  }
0x9e: {  	[timem:s8], [sflag:s22] =	dma.local [hbm:s6], s20  }
0x9f: {  	_ =	swait.ge [sflag:s22], s20  }
0xa0: {  	s5 =	ssub.s32 $0x0, s20;
	[sflag:s22] =	ssyncset.done $0x0  }
0xa1: {  	[sflag:s22] =	ssyncadd.s32 s5;
	_ =	sdelay $0x1  }
0xa2: {  	s23 =	simm.s32 $0x1B8B  }
0xa3: {  	_ =	swait.ge [sflag:s23], $0x1  }
0xa4: {  	[sflag:s23] =	ssyncset.done $0x0  }
0xa5: {  	s25 =	simm.s32 $0x1B8E;
	s24 =	sld [smem:$0x3FFE];
	[sflag:s23] =	ssyncadd.s32 $0xFFFFFFFF  }
0xa6: {  	s26 =	simm.s32 $execute0_lowered;
	[smem:$0x3FD2] =	sst s25  }
0xa7: {  	s6 =	sshll.u32 s26, $0x1;
	_ =	strace $0x80000046;
	[dreg:$0x1] =	wrdreg $0xFFFFFFFF  }
0xa8: {  	s28 =	simm.s32 $_size_execute0_lowered;
	s4 =	sadd.s32 s4, s6;
	[dreg:$0x0] =	wrdreg $0x0  }
0xa9: {  	s6 =	sshll.u32 s28, $0x1;
	[dreg:$0x2] =	wrdreg s4  }
0xaa: {  	[dreg:$0x3] =	wrdreg s6  }
0xab: {  	[dreg:$0x4] =	wrdreg $0xC0  }
0xac: {  	_ =	task [dreg:s8], $0x5FFFF  }
0xad: {  	[dreg:$0x1] =	wrdreg $0xFFFFFFFF  }
0xae: {  	[dreg:$0x0] =	wrdreg $0x60  }
0xaf: {  	[dreg:$0x2] =	wrdreg s2  }
0xb0: {  	[dreg:$0x3] =	wrdreg s18  }
0xb1: {  	[dreg:$0x4] =	wrdreg s24  }
0xb2: {  	[dreg:$0x5] =	wrdreg $0x9  }
0xb3: {  	_ =	task.clear_ibuf [dreg:s8], $0x6FFFF;
	_ =	strace $0x90000046  }
0xb4: {  	s29 =	simm.s32 $0x9;
	_ =	strace $0x80000048  }
0xb5: {  	_ =	swait.ge [sflag:s29], $0x1  }
0xb6: {  	[sflag:s29] =	ssyncadd.s32 $0xFFFFFFFF  }
0xb7: {  	_ =	strace $0x90000048  }
0xb8: {  	_ =	sfence  }
0xb9: {  	s30 =	sld [smem:$0x0];
	_ =	sdelay $0x2  }
0xba: {  	s31 =	sshll.u32 s1, $0xD;
	s1 =	sshrl.u32 s1, $0x2  }
0xbb: {  	s3 =	sand.u32 $0x4000, s31;
	s1 =	sadd.s32 s1, s30  }
0xbc: {  	s0 =	sor.u32 s3, s0;
	s1 =	sshll.u32 s1, $0x11  }
0xbd: {  	s0 =	sor.u32 s1, s0  }
0xbe: {  	s0 =	sadd.s32 $0x8F2B, s0  }
0xbf: {  	[sflag:s0] =	ssyncadd.remote.s32 $0x1  }
0xc0: {  	_ =	sfence.sel $0xFFFF  }
0xc1: {  	[dreg:$0x0] =	wrdreg $0xFFFFFFFF;
	(pc) =	sbr.abs _section_cstart, $3  }
0xc2: {  	[dreg:$0x1] =	wrdreg $0xFFFFFFFF  }
0xc3: {  	_ =	task.clear_ibuf [dreg:s8], $0x2FFFF;
	_ =	strace $0x9FFFFFFF  }
0xc4: {  	(tm) =	ssettm $0x7FFFFFFF  }
0xc5: {  	_ =	shalt  }
tec
execute0_lowered:
.L_overlay_start_1:
0x0: {  	(tag) =	ssettag $0x1  }
0x1: {  	s1 =	rddreg [dreg:$0x0]  }
0x2: {  	s3 =	rddreg [dreg:$0x1];
	s2 =	srdreg.scid  }
0x3: {  	s0 =	stileid.u32;
	s6 =	rddreg [dreg:$0x2]  }
0x4: {  	s4 =	simm.s32 $0x0;
	s11 =	simm.s32 $0x1;
	s12 =	simm.s32 $0x2  }
0x5: {  	s13 =	simm.s32 $0x9E00;
	s14 =	simm.s32 $0x3;
	s15 =	simm.s32 $0x0  }
0x6: {  	s7 =	sand.u32 $0x1, s2;
	s5 =	sshll.u32 s0, $0x1;
	s2 =	rddreg [dreg:$0x3]  }
.Ltmp0:
0x7: {  	[smem:$0x7FF] =	sst s4;
	s5 =	sor.u32 s7, s5;
	(pc) =	sbr.rel .LBB2_1-.Ltmp0, $4  }
0x8: {  	s7 =	ssub.s32 $0x2, s7;
	s8 =	smul.u32 $0x4E2, s5;
	s9 =	sshll.u32 s5, $0x1  }
0x9: {  	_ =	strace $0x80000047;
	s10 =	sshrl.u32 s7, $0x1;
	s9 =	sadd.s32 s9, s6  }
0xa: {  	s10 =	ssub.s32 s7, s10;
	s6 =	sadd.s32 s1, s8;
	s7 =	sadd.s32 s3, s8  }
0xb: {  	v0 =	vimm.f32 $0.0e+00;
	s8 =	sadd.s32 $0x800, s9;
	s9 =	smax.u32 s10, $0x1;
	s10 =	simm.s32 $0x4F00  }
.LBB2_11:
0xc: {  	s15 =	sadd.s32 $0x1, s15  }
0xd: {  	p0 =	sne.s32 s15, s9  }
.Ltmp1:
0xe: {  	_ = 	snop;
	(pc) =	sbr.rel @!p0 .LBB2_12-.Ltmp1, $4  }
0xf: {  	[hbm4b:s8+s4] =	stream.linear.scatter [tilespmem:s13], [sflag:$0x3], $0x10, $0x38;
	[tilespmem:$0x9E80] =	vst v63  }
0x10: {  	_ =	swait.ge [sflag:s14], $0x10  }
0x11: {  	[sflag:s14] =	ssyncset.done $0x0  }
0x12: {  	[sflag:s14] =	ssyncadd.s32 $0xFFFFFFF0  }
.LBB2_1:
.Ltmp2:
0x13: {  	(pc) =	sbr.rel .LBB2_2-.Ltmp2, $4  }
0x14: {  	[tilespmem:s4], [sflag:$0x1] =	stream.linear.gather [hbm4b:s6+s4], $0x2710, $0x38;
	[tilespmem:$0x9E80] =	vst v63  }
0x15: {  	_ = 	snop  }
0x16: {  	[tilespmem:s10], [sflag:$0x1] =	stream.linear.gather [hbm4b:s7+s4], $0x2710, $0x38;
	[tilespmem:$0x9E80] =	vst v63  }
0x17: {  	s16 =	simm.s32 $0x0;
	[tilespmem:$0x9E00] =	vst v0  }
.LBB2_10:
0x18: {  	s16 =	sadd.s32 $0x1, s16  }
0x19: {  	p0 =	sne.s32 s16, $0x10  }
.Ltmp3:
0x1a: {  	_ = 	snop;
	(pc) =	sbr.rel @!p0 .LBB2_11-.Ltmp3, $1  }
0x1b: {  	_ =	sdelay $0x3  }
.LBB2_2:
0x1c: {  	s17 =	sshll.u32 s16, $0x6  }
0x1d: {  	s17 =	sor.u32 s5, s17  }
0x1e: {  	s18 =	sor.u32 $0x20, s17  }
0x1f: {  	p0 =	sgt.u32 s18, $0x3E7  }
0x20: {  	s18 =	smul.u32 @!p0 $0x4E2, s18;
	_ =	sdelay $0x1  }
0x21: {  	s20 =	simm.s32 @!p0 $0x0;
	s21 =	simm.s32 @!p0 $0x2780;
	s19 =	sadd.s32 @!p0 s1, s18  }
0x22: {  	[tilespmem:s21], [sflag:$0x2] =	stream.linear.gather @!p0 [hbm4b:s19+s20], $0x2710, $0x38;
	[tilespmem:$0x9E80] =	vst v63  }
0x23: {  	s18 =	sadd.s32 @!p0 s3, s18;
	s19 =	simm.s32 @!p0 $0x7680  }
0x24: {  	[tilespmem:s19], [sflag:$0x2] =	stream.linear.gather @!p0 [hbm4b:s18+s20], $0x2710, $0x38;
	[tilespmem:$0x9E80] =	vst v63  }
0x25: {  	_ =	swait.ge [sflag:s11], $0x2710  }
0x26: {  	[sflag:s11] =	ssyncset.done $0x0  }
0x27: {  	[sflag:s11] =	ssyncadd.s32 $0xFFFFD8F0  }
0x28: {  	_ =	swait.ge [sflag:s11], $0x2710  }
0x29: {  	[sflag:s11] =	ssyncset.done $0x0  }
0x2a: {  	[sflag:s11] =	ssyncadd.s32 $0xFFFFD8F0  }
0x2b: {  	s31 =	simm.s32 $0x0;
	v2 =	vld [tilespmem:$0x9E00]  }
0x2c: {  	v1 =	vld [tilespmem:s31+$0x0]  }
0x2d: {  	v4 =	vld [tilespmem:s31+$0x4F00]  }
0x2e: {  	v5 =	vld [tilespmem:s31+$0x10]  }
0x2f: {  	v6 =	vld [tilespmem:s31+$0x4F10]  }
0x30: {  	v7 =	vld [tilespmem:s31+$0x20]  }
0x31: {  	v3 =	vld [tilespmem:s31+$0x4F20];
	vm0 =	veq.s32 v1, $0x0  }
0x32: {  	v1 =	vld [tilespmem:s31+$0x30];
	v4 =	vsel vm0, $0x0, v4  }
0x33: {  	vm0 =	veq.s32 v5, $0x0;
	v8 =	vadd.f32 v4, v2;
	v4 =	vld [tilespmem:s31+$0x4F30]  }
0x34: {  	v5 =	vsel vm0, $0x0, v6;
	v2 =	vld [tilespmem:s31+$0x40]  }
0x35: {  	s18 =	simm.s32 $0x50;
	s19 =	simm.s32 $0x280;
	vm0 =	veq.s32 v7, $0x0;
	v6 =	vadd.f32 v5, v8;
	v5 =	vld [tilespmem:s31+$0x4F40]  }
.LBB2_3:
0x36: {  	p1 =	sne.s32 s19, $0x9B00;
	v7 =	vld [tilespmem:s18+$0x0];
	v3 =	vsel vm0, $0x0, v3  }
0x37: {  	v8 =	vld [tilespmem:s18+$0x4F00];
	v3 =	vadd.f32 v3, v6;
	vm0 =	veq.s32 v1, $0x0  }
0x38: {  	v6 =	vld [tilespmem:s18+$0x10];
	v1 =	vsel vm0, $0x0, v4  }
0x39: {  	v9 =	vld [tilespmem:s18+$0x4F10];
	v1 =	vadd.f32 v1, v3;
	vm0 =	veq.s32 v2, $0x0  }
0x3a: {  	v10 =	vld [tilespmem:s18+$0x20];
	v2 =	vsel vm0, $0x0, v5  }
.Ltmp4:
0x3b: {  	vm0 =	veq.s32 v7, $0x0;
	v3 =	vld [tilespmem:s18+$0x4F20];
	v2 =	vadd.f32 v2, v1;
	(pc) =	sbr.rel @p1 .LBB2_3-.Ltmp4, $4  }
0x3c: {  	v4 =	vsel vm0, $0x0, v8;
	v1 =	vld [tilespmem:s18+$0x30]  }
0x3d: {  	v5 =	vadd.f32 v4, v2;
	vm0 =	veq.s32 v6, $0x0;
	v4 =	vld [tilespmem:s18+$0x4F30]  }
0x3e: {  	v6 =	vsel vm0, $0x0, v9;
	v2 =	vld [tilespmem:s18+$0x40]  }
0x3f: {  	v6 =	vadd.f32 v6, v5;
	vm0 =	veq.s32 v10, $0x0;
	v5 =	vld [tilespmem:s18+$0x4F40];
	s18 =	sshra.s32 s19, $0x2;
	s19 =	sadd.s32 $0x140, s19  }
0x40: {  	v7 =	vld [tilespmem:s18+$0x0];
	v3 =	vsel vm0, $0x0, v3  }
0x41: {  	v8 =	vld [tilespmem:s18+$0x4F00];
	v3 =	vadd.f32 v3, v6;
	vm9 =	veq.s32 v1, $0x0  }
0x42: {  	v1 =	vld [tilespmem:s18+$0x10];
	v4 =	vsel vm9, $0x0, v4  }
0x43: {  	v56 =	vld [tilespmem:s18+$0x4F10];
	v3 =	vadd.f32 v4, v3;
	vm10 =	veq.s32 v2, $0x0  }
0x44: {  	v2 =	vld [tilespmem:s18+$0x20];
	v57 =	vsel vm10, $0x0, v5  }
0x45: {  	v58 =	vld [tilespmem:s18+$0x4F20];
	vm11 =	veq.s32 v7, $0x0;
	v3 =	vadd.f32 v57, v3  }
0x46: {  	v60 =	vld [tilespmem:s18+$0x30];
	v59 =	vsel vm11, $0x0, v8  }
0x47: {  	vm12 =	veq.s32 v1, $0x0;
	v1 =	vld [tilespmem:s18+$0x4F30];
	v3 =	vadd.f32 v59, v3  }
0x48: {  	v62 =	vld [tilespmem:s18+$0x40];
	v61 =	vsel vm12, $0x0, v56  }
0x49: {  	vm13 =	veq.s32 v2, $0x0;
	v2 =	vld [tilespmem:s18+$0x4F40];
	v3 =	vadd.f32 v61, v3  }
0x4a: {  	v63 =	vsel vm13, $0x0, v58  }
0x4b: {  	vm14 =	veq.s32 v60, $0x0;
	v3 =	vadd.f32 v63, v3  }
0x4c: {  	p1 =	sgt.u32 s17, $0x3A7;
	v1 =	vsel vm14, $0x0, v1  }
.Ltmp5:
0x4d: {  	vm15 =	veq.s32 v62, $0x0;
	v1 =	vadd.f32 v1, v3;
	(pc) =	sbr.rel @p1 .LBB2_6-.Ltmp5, $3  }
0x4e: {  	v2 =	vsel vm15, $0x0, v2  }
0x4f: {  	v1 =	vadd.f32 v2, v1;
	_ =	sdelay $0x1  }
0x50: {  	[tilespmem:$0x9E00] =	vst v1  }
0x51: {  	s17 =	smul.u32 $0x2710, s17;
	_ =	sdelay $0x1  }
0x52: {  	s17 =	sshrl.u32 s17, $0x3  }
.Ltmp6:
0x53: {  	s17 =	sadd.s32 $0x13880, s17;
	(pc) =	sbr.rel .LBB2_7-.Ltmp6, $4  }
0x54: {  	s18 =	sadd.s32 s1, s17  }
0x55: {  	[tilespmem:s4], [sflag:$0x1] =	stream.linear.gather [hbm4b:s18+s4], $0x2710, $0x38;
	[tilespmem:$0x9E80] =	vst v63  }
0x56: {  	s17 =	sadd.s32 s3, s17  }
0x57: {  	[tilespmem:s10], [sflag:$0x1] =	stream.linear.gather [hbm4b:s17+s4], $0x2710, $0x38;
	[tilespmem:$0x9E80] =	vst v63  }
.LBB2_6:
.Ltmp7:
0x58: {  	(pc) =	sbr.rel @p0 .LBB2_10-.Ltmp7, $1  }
0x59: {  	_ =	sdelay $0x3  }
.LBB2_7:
0x5a: {  	_ =	swait.ge [sflag:s12], $0x2710  }
0x5b: {  	[sflag:s12] =	ssyncset.done $0x0  }
0x5c: {  	[sflag:s12] =	ssyncadd.s32 $0xFFFFD8F0  }
0x5d: {  	_ =	swait.ge [sflag:s12], $0x2710  }
0x5e: {  	[sflag:s12] =	ssyncset.done $0x0  }
0x5f: {  	[sflag:s12] =	ssyncadd.s32 $0xFFFFD8F0  }
0x60: {  	s19 =	simm.s32 $0x0;
	v2 =	vld [tilespmem:$0x9E00]  }
0x61: {  	v1 =	vld [tilespmem:s19+$0x2780]  }
0x62: {  	v4 =	vld [tilespmem:s19+$0x7680]  }
0x63: {  	v5 =	vld [tilespmem:s19+$0x2790]  }
0x64: {  	v6 =	vld [tilespmem:s19+$0x7690]  }
0x65: {  	v7 =	vld [tilespmem:s19+$0x27A0]  }
0x66: {  	v3 =	vld [tilespmem:s19+$0x76A0];
	vm0 =	veq.s32 v1, $0x0  }
0x67: {  	v1 =	vld [tilespmem:s19+$0x27B0];
	v4 =	vsel vm0, $0x0, v4  }
0x68: {  	vm0 =	veq.s32 v5, $0x0;
	v8 =	vadd.f32 v4, v2;
	v4 =	vld [tilespmem:s19+$0x76B0]  }
0x69: {  	v5 =	vsel vm0, $0x0, v6;
	v2 =	vld [tilespmem:s19+$0x27C0]  }
0x6a: {  	s17 =	simm.s32 $0x50;
	s18 =	simm.s32 $0x280;
	vm0 =	veq.s32 v7, $0x0;
	v6 =	vadd.f32 v5, v8;
	v5 =	vld [tilespmem:s19+$0x76C0]  }
.LBB2_8:
0x6b: {  	p0 =	sne.s32 s18, $0x9B00;
	v7 =	vld [tilespmem:s17+$0x2780];
	v3 =	vsel vm0, $0x0, v3  }
0x6c: {  	v8 =	vld [tilespmem:s17+$0x7680];
	v3 =	vadd.f32 v3, v6;
	vm0 =	veq.s32 v1, $0x0  }
0x6d: {  	v6 =	vld [tilespmem:s17+$0x2790];
	v1 =	vsel vm0, $0x0, v4  }
0x6e: {  	v9 =	vld [tilespmem:s17+$0x7690];
	v1 =	vadd.f32 v1, v3;
	vm0 =	veq.s32 v2, $0x0  }
0x6f: {  	v10 =	vld [tilespmem:s17+$0x27A0];
	v2 =	vsel vm0, $0x0, v5  }
.Ltmp8:
0x70: {  	vm0 =	veq.s32 v7, $0x0;
	v3 =	vld [tilespmem:s17+$0x76A0];
	v2 =	vadd.f32 v2, v1;
	(pc) =	sbr.rel @p0 .LBB2_8-.Ltmp8, $4  }
0x71: {  	v4 =	vsel vm0, $0x0, v8;
	v1 =	vld [tilespmem:s17+$0x27B0]  }
0x72: {  	v5 =	vadd.f32 v4, v2;
	vm0 =	veq.s32 v6, $0x0;
	v4 =	vld [tilespmem:s17+$0x76B0]  }
0x73: {  	v6 =	vsel vm0, $0x0, v9;
	v2 =	vld [tilespmem:s17+$0x27C0]  }
0x74: {  	v6 =	vadd.f32 v6, v5;
	vm0 =	veq.s32 v10, $0x0;
	v5 =	vld [tilespmem:s17+$0x76C0];
	s17 =	sshra.s32 s18, $0x2;
	s18 =	sadd.s32 $0x140, s18  }
0x75: {  	v7 =	vld [tilespmem:s17+$0x2780];
	v3 =	vsel vm0, $0x0, v3  }
0x76: {  	v8 =	vld [tilespmem:s17+$0x7680];
	v3 =	vadd.f32 v3, v6;
	vm9 =	veq.s32 v1, $0x0  }
0x77: {  	v1 =	vld [tilespmem:s17+$0x2790];
	v4 =	vsel vm9, $0x0, v4  }
0x78: {  	v56 =	vld [tilespmem:s17+$0x7690];
	v3 =	vadd.f32 v4, v3;
	vm10 =	veq.s32 v2, $0x0  }
0x79: {  	v2 =	vld [tilespmem:s17+$0x27A0];
	v57 =	vsel vm10, $0x0, v5  }
0x7a: {  	v58 =	vld [tilespmem:s17+$0x76A0];
	vm11 =	veq.s32 v7, $0x0;
	v3 =	vadd.f32 v57, v3  }
0x7b: {  	v60 =	vld [tilespmem:s17+$0x27B0];
	v59 =	vsel vm11, $0x0, v8  }
0x7c: {  	vm12 =	veq.s32 v1, $0x0;
	v1 =	vld [tilespmem:s17+$0x76B0];
	v3 =	vadd.f32 v59, v3  }
0x7d: {  	v62 =	vld [tilespmem:s17+$0x27C0];
	v61 =	vsel vm12, $0x0, v56  }
0x7e: {  	vm13 =	veq.s32 v2, $0x0;
	v2 =	vld [tilespmem:s17+$0x76C0];
	v3 =	vadd.f32 v61, v3  }
0x7f: {  	v63 =	vsel vm13, $0x0, v58  }
0x80: {  	vm14 =	veq.s32 v60, $0x0;
	v3 =	vadd.f32 v63, v3  }
0x81: {  	v1 =	vsel vm14, $0x0, v1  }
.Ltmp9:
0x82: {  	vm15 =	veq.s32 v62, $0x0;
	v1 =	vadd.f32 v1, v3;
	(pc) =	sbr.rel .LBB2_10-.Ltmp9, $3  }
0x83: {  	v2 =	vsel vm15, $0x0, v2  }
0x84: {  	v1 =	vadd.f32 v2, v1;
	_ =	sdelay $0x1  }
0x85: {  	[tilespmem:$0x9E00] =	vst v1  }
.LBB2_12:
0x86: {  	_ =	sfence.sel $0x180000  }
0x87: {  	[bflag:$0x0] =	sbarrier.arrive $0xFFFF  }
0x88: {  	p0 =	sne.s32 s0, $0x0;
	_ =	strace $0x90000047  }
0x89: {  	s0 =	sadd.s32 @!p0 $0x100000, s2;
	[bflag:$0x2] =	sbarrier.arrive $0xFFFF  }
0x8a: {  	[sflag:s0] =	ssyncadd.tile.s32 @!p0 $0x1;
	_ =	shalt  }
.Lfunc_end2:
_tile_overlayer_lowered:
.L_overlay_start_2:
0x8b: {  	(tag) =	ssettag $0x2  }
0x8c: {  	s0 =	rddreg [dreg:$0x0];
	s2 =	stileid.u32  }
0x8d: {  	s1 =	rddreg [dreg:$0x1];
	p0 =	sne.s32 s2, $0x0  }
0x8e: {  	s3 =	rddreg [dreg:$0x2];
	[bflag:$0x3] =	sbarrier.arrive $0xFFFF;
	s2 =	simm.s32 @!p0 $0x1C03  }
0x8f: {  	[timem:s3], [sflag:s2] =	dma.local @!p0 [hbm:s0], s1  }
0x90: {  	s0 =	simm.s32 @!p0 $0x3  }
0x91: {  	_ =	swait.ge @!p0 [sflag:s0], s1  }
0x92: {  	s1 =	ssub.s32 @!p0 $0x0, s1;
	[sflag:s0] =	ssyncset.done @!p0 $0x0  }
0x93: {  	[sflag:s0] =	ssyncadd.s32 @!p0 s1  }
0x94: {  	[bflag:$0x3] =	sbarrier.arrive $0xFFFF  }
0x95: {  	_ =	shalt  }

// kernel: kernel.7.cloned.1.call-start
scs
__scs_entry_jumppad:
0x0: {  	(pc) =	sbr.rel $0x88, $3  }
0x1: {  	(tag) =	ssettag $0x0;
	lr =	simm.s32 $0x1  }
0x2: {  	[smem:$0x3F9F] =	sst lr;
	_ =	strace $0xD0000000  }
0x3: {  	_ = 	snop  }
0x4: {  	_ = 	snop  }
0x5: {  	_ = 	snop  }
0x6: {  	_ = 	snop  }
0x7: {  	_ = 	snop  }
__scs_overlays_trampoline_lowered:
0x8: {  	[smem:$0x3FAE] =	sst s0  }
0x9: {  	[smem:$0x3FAF] =	sst s1  }
0xa: {  	[smem:$0x3FB0] =	sst s2  }
0xb: {  	[smem:$0x3FB1] =	sst s3  }
0xc: {  	[smem:$0x3FB2] =	sst s4  }
0xd: {  	[smem:$0x3FB3] =	sst s5  }
0xe: {  	[smem:$0x3FB4] =	sst s6  }
0xf: {  	[smem:$0x3FB5] =	sst s7  }
0x10: {  	[smem:$0x3FB6] =	sst s8  }
0x11: {  	[smem:$0x3FB7] =	sst s9;
	s0 =	simm.s32 @!p0 $0x0  }
0x12: {  	s1 =	sld [smem:$0x3F9D];
	s0 =	simm.s32 @p0 $0x1  }
0x13: {  	[smem:$0x3FB8] =	sst s0;
	s0 =	simm.s32 @!p1 $0x0  }
0x14: {  	s2 =	sld [smem:$0x3F9C];
	s0 =	simm.s32 @p1 $0x1  }
0x15: {  	[smem:$0x3FB9] =	sst s0;
	s0 =	simm.s32 @!p2 $0x0  }
0x16: {  	s3 =	sld [smem:$0x3FDB];
	s0 =	simm.s32 @p2 $0x1  }
0x17: {  	s4 =	simm.s32 $0x1BF5;
	[smem:$0x3FBB] =	sst s0  }
0x18: {  	s0 =	sld [smem:$0x3F9E];
	_ =	swait.ge [sflag:s4], $0x0  }
0x19: {  	s7 =	sld [smem:$0x3F9F]  }
0x1a: {  	s8 =	sadd.s32 $0xFFFFE003, lr  }
0x1b: {  	s9 =	sadd.s32 $0xFFFFFEF7, lr;
	s5 =	simm.s32 $0xFFFFFFFF;
	p2 =	slt.u32 s8, $0xFFFFF086  }
0x1c: {  	p1 =	slt.u32 s9, $0xF7A;
	s5 =	simm.s32 @!p2 $0x0  }
0x1d: {  	s5 =	simm.s32 @p1 $0x1;
	p0 =	seq.s32 s7, s2  }
0x1e: {  	s7 =	smul.u32 @!p0 $0xF7A, s2;
	p2 =	seq.s32 @!p0 s5, $0x0  }
0x1f: {  	s9 =	smul.u32 $0xF7A, s1;
	s8 =	simm.s32 @!p0 $0x1BF5;
	p2 =	por !p2, p0  }
0x20: {  	[sflag:s8] =	ssyncset.s32 @!p0 $0xFFFFF086;
	s6 =	sadd.s32 @!p0 s3, s7;
	s7 =	simm.s32 @!p0 $0x108  }
0x21: {  	s3 =	sadd.s32 s3, s9;
	s6 =	sadd.s32 @!p0 $0x88, s6;
	s7 =	simm.s32 @p2 $0x1082  }
0x22: {  	[simem:s7], [sflag:s8] =	dma.local @!p0 [hbm:s6], $0xF7A  }
0x23: {  	s9 =	sor.u32 $0xD0000000, s2;
	s6 =	simm.s32 $0x108;
	_ =	swait.ge @!p0 [sflag:s8], $0x0  }
0x24: {  	s3 =	sadd.s32 $0x88, s3;
	s6 =	simm.s32 @!p1 $0x1082;
	[sflag:s4] =	ssyncset.s32 $0xFFFFF086  }
0x25: {  	[simem:s6], [sflag:s4] =	dma.local [hbm:s3], $0xF7A  }
0x26: {  	[smem:$0x3F9F] =	sst s1;
	(tag) =	ssettag s2;
	_ =	strace s9  }
0x27: {  	s1 =	sld [smem:$0x3FAF]  }
0x28: {  	s2 =	sld [smem:$0x3FB0]  }
0x29: {  	s4 =	sld [smem:$0x3FB2]  }
0x2a: {  	p0 =	seq.s32 s5, $0x0;
	s5 =	sld [smem:$0x3FB3]  }
0x2b: {  	s6 =	sld [smem:$0x3FB4]  }
0x2c: {  	s7 =	sld [smem:$0x3FB5]  }
0x2d: {  	s3 =	simm.s32 $0x108;
	s8 =	sld [smem:$0x3FB6]  }
0x2e: {  	s3 =	simm.s32 @!p0 $0x1082;
	s9 =	sld [smem:$0x3FB7]  }
0x2f: {  	lr =	sadd.s32 s0, s3;
	s0 =	sld [smem:$0x3FAE]  }
0x30: {  	s3 =	sld [smem:$0x3FB1]  }
0x31: {  	[smem:$0x3FBA] =	sst s10  }
0x32: {  	s10 =	sld [smem:$0x3FB8];
	_ =	sdelay $0x3  }
0x33: {  	p0 =	seq.s32 s10, $0x1;
	s10 =	sld [smem:$0x3FBA];
	_ =	sdelay $0x3  }
0x34: {  	[smem:$0x3FBA] =	sst s10  }
0x35: {  	s10 =	sld [smem:$0x3FB9];
	_ =	sdelay $0x3  }
0x36: {  	p1 =	seq.s32 s10, $0x1;
	s10 =	sld [smem:$0x3FBA];
	_ =	sdelay $0x3  }
0x37: {  	[smem:$0x3FBA] =	sst s10  }
0x38: {  	s10 =	sld [smem:$0x3FBB]  }
0x39: {  	_ = 	snop;
	(pc) =	sbr.ind lr, $3  }
0x3a: {  	_ = 	snop  }
0x3b: {  	_ = 	snop  }
0x3c: {  	p2 =	seq.s32 s10, $0x1;
	s10 =	sld [smem:$0x3FBA]  }
0x3d: {  	_ =	shalt  }
0x3e: {  	_ =	shalt  }
0x3f: {  	_ =	shalt  }
0x40: {  	_ =	shalt  }
0x41: {  	_ =	shalt  }
0x42: {  	_ =	shalt  }
0x43: {  	_ =	shalt  }
0x44: {  	_ =	shalt  }
0x45: {  	_ =	shalt  }
0x46: {  	_ =	shalt  }
0x47: {  	_ =	shalt  }
0x48: {  	_ =	shalt  }
0x49: {  	_ =	shalt  }
0x4a: {  	_ =	shalt  }
0x4b: {  	_ =	shalt  }
0x4c: {  	_ =	shalt  }
0x4d: {  	_ =	shalt  }
0x4e: {  	_ =	shalt  }
0x4f: {  	_ =	shalt  }
0x50: {  	_ =	shalt  }
0x51: {  	_ =	shalt  }
0x52: {  	_ =	shalt  }
0x53: {  	_ =	shalt  }
0x54: {  	_ =	shalt  }
0x55: {  	_ =	shalt  }
0x56: {  	_ =	shalt  }
0x57: {  	_ =	shalt  }
0x58: {  	_ =	shalt  }
0x59: {  	_ =	shalt  }
0x5a: {  	_ =	shalt  }
0x5b: {  	_ =	shalt  }
0x5c: {  	_ =	shalt  }
0x5d: {  	_ =	shalt  }
0x5e: {  	_ =	shalt  }
0x5f: {  	_ =	shalt  }
0x60: {  	_ =	shalt  }
0x61: {  	_ =	shalt  }
0x62: {  	_ =	shalt  }
0x63: {  	_ =	shalt  }
0x64: {  	_ =	shalt  }
0x65: {  	_ =	shalt  }
0x66: {  	_ =	shalt  }
0x67: {  	_ =	shalt  }
0x68: {  	_ =	shalt  }
0x69: {  	_ =	shalt  }
0x6a: {  	_ =	shalt  }
0x6b: {  	_ =	shalt  }
0x6c: {  	_ =	shalt  }
0x6d: {  	_ =	shalt  }
0x6e: {  	_ =	shalt  }
0x6f: {  	_ =	shalt  }
0x70: {  	_ =	shalt  }
0x71: {  	_ =	shalt  }
0x72: {  	_ =	shalt  }
0x73: {  	_ =	shalt  }
0x74: {  	_ =	shalt  }
0x75: {  	_ =	shalt  }
0x76: {  	_ =	shalt  }
0x77: {  	_ =	shalt  }
0x78: {  	_ =	shalt  }
0x79: {  	_ =	shalt  }
0x7a: {  	_ =	shalt  }
0x7b: {  	_ =	shalt  }
0x7c: {  	_ =	shalt  }
0x7d: {  	_ =	shalt  }
0x7e: {  	_ =	shalt  }
0x7f: {  	_ =	shalt  }
0x80: {  	_ =	shalt  }
0x81: {  	_ =	shalt  }
0x82: {  	_ =	shalt  }
0x83: {  	_ =	shalt  }
0x84: {  	_ =	shalt  }
0x85: {  	_ =	shalt  }
0x86: {  	_ =	shalt  }
0x87: {  	_ =	shalt  }
.Lfunc_end0:
.L_simem_size_0:
called_computation.1_lowered:
.L_overlay_start_0:
0x88: {  	s2 =	sld [smem:$0x3FD9]  }
0x89: {  	s3 =	sld [smem:$0x3FFE];
	_ =	sdelay $0x1  }
0x8a: {  	s1 =	srdreg.scid  }
0x8b: {  	s0 =	sand.u32 $0x1, s1  }
0x8c: {  	s17 =	sshll.u32 s0, $0xA;
	s2 =	sadd.s32 s3, s2  }
0x8d: {  	s2 =	sadd.s32 s2, s17  }
0x8e: {  	[smem:$0x3FC6] =	sst s2  }
0x8f: {  	_ = 	snop  }
0x90: {  	s2 =	sld [smem:$0x3FC9]  }
0x91: {  	s18 =	sld [smem:$0x3FC8]  }
0x92: {  	s4 =	sld [smem:$0x3FD0];
	(tm) =	ssettm $0x1  }
0x93: {  	s5 =	sld [smem:$0x3FFB];
	_ =	sdelay $0x3  }
0x94: {  	_ =	strace s5  }
0x95: {  	s5 =	sld [smem:$0x3FFC];
	_ =	sdelay $0x3  }
0x96: {  	_ =	strace s5  }
0x97: {  	s5 =	sld [smem:$0x3FFD];
	_ =	sdelay $0x3  }
0x98: {  	_ =	strace s5  }
0x99: {  	_ =	strace $0x8FFFFFFF  }
0x9a: {  	s19 =	sld [smem:$0x3FDB];
	_ =	sdelay $0x1  }
0x9b: {  	s6 =	simm.s32 $_scs_section_size  }
0x9c: {  	s7 =	simm.s32 $_size__tile_overlayer_lowered;
	s8 =	simm.s32 $_tile_overlayer_lowered  }
0x9d: {  	s22 =	simm.s32 $0x1BFF;
	s21 =	sshll.u32 s8, $0x1;
	s5 =	sadd.s32 s6, s19  }
0x9e: {  	s9 =	simm.s32 $0x0;
	s20 =	sshll.u32 s7, $0x1;
	s7 =	sadd.s32 s21, s5  }
0x9f: {  	[timem:s9], [sflag:s22] =	dma.local [hbm:s7], s20  }
0xa0: {  	_ =	swait.ge [sflag:s22], s20  }
0xa1: {  	s6 =	ssub.s32 $0x0, s20;
	[sflag:s22] =	ssyncset.done $0x0  }
0xa2: {  	[sflag:s22] =	ssyncadd.s32 s6;
	_ =	sdelay $0x1  }
0xa3: {  	s23 =	simm.s32 $0x1B8B  }
0xa4: {  	_ =	swait.ge [sflag:s23], $0x1  }
0xa5: {  	[sflag:s23] =	ssyncset.done $0x0  }
0xa6: {  	s25 =	simm.s32 $0x1B8E;
	s24 =	sld [smem:$0x3FFE];
	[sflag:s23] =	ssyncadd.s32 $0xFFFFFFFF  }
0xa7: {  	s26 =	simm.s32 $execute0_lowered;
	[smem:$0x3FD2] =	sst s25  }
0xa8: {  	s7 =	sshll.u32 s26, $0x1;
	_ =	strace $0x80000049;
	[dreg:$0x1] =	wrdreg $0xFFFFFFFF  }
0xa9: {  	s28 =	simm.s32 $_size_execute0_lowered;
	s5 =	sadd.s32 s5, s7;
	[dreg:$0x0] =	wrdreg $0x0  }
0xaa: {  	s7 =	sshll.u32 s28, $0x1;
	[dreg:$0x2] =	wrdreg s5  }
0xab: {  	[dreg:$0x3] =	wrdreg s7  }
0xac: {  	[dreg:$0x4] =	wrdreg $0xC0  }
0xad: {  	_ =	task [dreg:s9], $0x5FFFF  }
0xae: {  	[dreg:$0x1] =	wrdreg $0xFFFFFFFF  }
0xaf: {  	[dreg:$0x0] =	wrdreg $0x60  }
0xb0: {  	[dreg:$0x2] =	wrdreg s2  }
0xb1: {  	[dreg:$0x3] =	wrdreg s18  }
0xb2: {  	[dreg:$0x4] =	wrdreg s24  }
0xb3: {  	[dreg:$0x5] =	wrdreg s4  }
0xb4: {  	[dreg:$0x6] =	wrdreg $0x9  }
0xb5: {  	_ =	task.clear_ibuf [dreg:s9], $0x7FFFF;
	_ =	strace $0x90000049  }
0xb6: {  	s29 =	simm.s32 $0x9;
	_ =	strace $0x8000004B  }
0xb7: {  	_ =	swait.ge [sflag:s29], $0x1  }
0xb8: {  	[sflag:s29] =	ssyncadd.s32 $0xFFFFFFFF  }
0xb9: {  	_ =	strace $0x9000004B  }
0xba: {  	_ =	sfence  }
0xbb: {  	s30 =	sld [smem:$0x0];
	_ =	sdelay $0x2  }
0xbc: {  	s31 =	sshll.u32 s1, $0xD;
	s1 =	sshrl.u32 s1, $0x2  }
0xbd: {  	s3 =	sand.u32 $0x4000, s31;
	s1 =	sadd.s32 s1, s30  }
0xbe: {  	s0 =	sor.u32 s3, s0;
	s1 =	sshll.u32 s1, $0x11  }
0xbf: {  	s0 =	sor.u32 s1, s0  }
0xc0: {  	s0 =	sadd.s32 $0x8F2B, s0  }
0xc1: {  	[sflag:s0] =	ssyncadd.remote.s32 $0x1  }
0xc2: {  	_ =	sfence.sel $0xFFFF  }
0xc3: {  	[dreg:$0x0] =	wrdreg $0xFFFFFFFF;
	(pc) =	sbr.abs _section_cstart, $3  }
0xc4: {  	[dreg:$0x1] =	wrdreg $0xFFFFFFFF  }
0xc5: {  	_ =	task.clear_ibuf [dreg:s9], $0x2FFFF;
	_ =	strace $0x9FFFFFFF  }
0xc6: {  	(tm) =	ssettm $0x7FFFFFFF  }
0xc7: {  	_ =	shalt  }
tec
execute0_lowered:
.L_overlay_start_1:
0x0: {  	(tag) =	ssettag $0x1  }
0x1: {  	s0 =	rddreg [dreg:$0x0]  }
0x2: {  	v0 =	vimm.s32 $0xEFCDAB89;
	s1 =	rddreg [dreg:$0x1]  }
0x3: {  	v1 =	vimm.s32 $0x67452301;
	v2 =	vimm.s32 $0xDCFE98BA;
	s7 =	rddreg [dreg:$0x2];
	v3 =	vimm.s32 $0x54761032  }
0x4: {  	s3 =	srdreg.scid;
	s2 =	stileid.u32;
	v4 =	vimm.s32 $0xBA98FEDC;
	v5 =	vimm.s32 $0x32107654;
	v6 =	vimm.s32 $0xFEDCBA98  }
0x5: {  	s4 =	rddreg [dreg:$0x3];
	s5 =	simm.s32 $0x0;
	v7 =	vimm.s32 $0x76543210;
	s11 =	simm.s32 $0xED00;
	v0 =	vunpack.c.l.s4.s8 v0;
	v1 =	vunpack.c.l.s4.s8 v1  }
0x6: {  	s12 =	simm.s32 $0x5;
	s13 =	simm.s32 $0x4F00;
	s14 =	simm.s32 $0x1;
	v2 =	vunpack.c.l.s4.s8 v2;
	v3 =	vunpack.c.l.s4.s8 v3;
	v4 =	vunpack.c.l.s4.s8 v4  }
0x7: {  	s15 =	simm.s32 $0x9E00;
	s16 =	simm.s32 $0x2;
	s17 =	simm.s32 $0xC580;
	v5 =	vunpack.c.l.s4.s8 v5;
	v6 =	vunpack.c.l.s4.s8 v6;
	v7 =	vunpack.c.l.s4.s8 v7  }
0x8: {  	s18 =	simm.s32 $0x3;
	s19 =	simm.s32 $0x0;
	s8 =	sand.u32 $0x1, s3;
	v0 =	vunpack.c.0.s8.s32 v0;
	v1 =	vunpack.c.0.s8.s32 v1;
	v2 =	vunpack.c.0.s8.s32 v2  }
.Ltmp0:
0x9: {  	s6 =	sshll.u32 s2, $0x1;
	s3 =	rddreg [dreg:$0x4];
	v3 =	vunpack.c.0.s8.s32 v3;
	v4 =	vunpack.c.0.s8.s32 v4;
	v5 =	vunpack.c.0.s8.s32 v5;
	(pc) =	sbr.rel .LBB2_1-.Ltmp0, $4  }
0xa: {  	[smem:$0x7FF] =	sst s5;
	s6 =	sor.u32 s8, s6;
	s8 =	ssub.s32 $0x2, s8;
	v0 =	vcombine.low v1, v0;
	v1 =	vunpack.c.0.s8.s32 v6  }
0xb: {  	s7 =	sadd.s32 $0x800, s7;
	s9 =	smul.u32 $0x4E2, s6;
	s10 =	sshrl.u32 s8, $0x1;
	v2 =	vcombine.low v3, v2;
	v3 =	vcombine.low v5, v4;
	v4 =	vunpack.c.0.s8.s32 v7  }
0xc: {  	p0 =	sgt.u32 s2, $0x3;
	_ =	strace $0x8000004A;
	s10 =	ssub.s32 s8, s10;
	v0 =	vand.u32 $0xF, v0;
	v5 =	vand.u32 $0xF, v1  }
0xd: {  	s8 =	sadd.s32 s0, s9;
	s9 =	sadd.s32 s1, s9;
	s10 =	smax.u32 s10, $0x1;
	v1 =	vand.u32 $0xF, v2;
	v2 =	vand.u32 $0xF, v3;
	v3 =	vcombine.low v5, v4  }
.LBB2_11:
0xe: {  	s19 =	sadd.s32 $0x1, s19  }
0xf: {  	_ =	swait.ge [sflag:s18], $0x2710;
	p1 =	sne.s32 s19, s10  }
.Ltmp1:
0x10: {  	[sflag:s18] =	ssyncset.done $0x0;
	(pc) =	sbr.rel @!p1 .LBB2_12-.Ltmp1, $4  }
0x11: {  	s20 =	simm.s32 @!p0 $0x4;
	[sflag:s18] =	ssyncadd.s32 $0xFFFFD8F0  }
0x12: {  	_ =	swait.ge @!p0 [sflag:s20], $0x2710  }
0x13: {  	[sflag:s20] =	ssyncset.done @!p0 $0x0  }
0x14: {  	[sflag:s20] =	ssyncadd.s32 @!p0 $0xFFFFD8F0  }
.LBB2_1:
0x15: {  	[tilespmem:s11], [sflag:$0x5] =	stream.linear.gather [hbm4b:s7+s5], $0x200, $0x38;
	[tilespmem:$0xEF00] =	vst v63  }
0x16: {  	_ =	swait.ge [sflag:s12], $0x200  }
0x17: {  	[sflag:s12] =	ssyncset.done $0x0  }
0x18: {  	[sflag:s12] =	ssyncadd.s32 $0xFFFFFE00  }
0x19: {  	v4 =	vld [tilespmem:$0xED00];
	_ =	sdelay $0x1  }
0x1a: {  	v5 =	vld [tilespmem:$0xED10];
	_ =	sdelay $0x1  }
0x1b: {  	v6 =	vld [tilespmem:$0xED20]  }
0x1c: {  	v4 =	vadd.f32 $0.0e+00, v4  }
0x1d: {  	v7 =	vld [tilespmem:$0xED30]  }
0x1e: {  	v4 =	vadd.f32 v5, v4  }
0x1f: {  	v5 =	vld [tilespmem:$0xED40]  }
0x20: {  	v4 =	vadd.f32 v6, v4  }
0x21: {  	v6 =	vld [tilespmem:$0xED50]  }
0x22: {  	v4 =	vadd.f32 v7, v4  }
0x23: {  	v7 =	vld [tilespmem:$0xED60]  }
0x24: {  	v4 =	vadd.f32 v5, v4  }
0x25: {  	v5 =	vld [tilespmem:$0xED70]  }
0x26: {  	v4 =	vadd.f32 v6, v4  }
0x27: {  	v6 =	vld [tilespmem:$0xED80]  }
0x28: {  	v4 =	vadd.f32 v7, v4  }
0x29: {  	v7 =	vld [tilespmem:$0xED90]  }
0x2a: {  	v4 =	vadd.f32 v5, v4  }
0x2b: {  	v5 =	vld [tilespmem:$0xEDA0]  }
0x2c: {  	v4 =	vadd.f32 v6, v4  }
0x2d: {  	v6 =	vld [tilespmem:$0xEDB0]  }
0x2e: {  	v4 =	vadd.f32 v7, v4  }
0x2f: {  	v7 =	vld [tilespmem:$0xEDC0]  }
0x30: {  	v4 =	vadd.f32 v5, v4  }
0x31: {  	v5 =	vld [tilespmem:$0xEDD0]  }
0x32: {  	v4 =	vadd.f32 v6, v4  }
0x33: {  	v6 =	vld [tilespmem:$0xEDE0]  }
0x34: {  	v4 =	vadd.f32 v7, v4  }
0x35: {  	v7 =	vld [tilespmem:$0xEDF0]  }
0x36: {  	v4 =	vadd.f32 v5, v4  }
0x37: {  	v5 =	vld [tilespmem:$0xEE00]  }
0x38: {  	v4 =	vadd.f32 v6, v4  }
0x39: {  	v6 =	vld [tilespmem:$0xEE10]  }
0x3a: {  	v4 =	vadd.f32 v7, v4  }
0x3b: {  	v7 =	vld [tilespmem:$0xEE20]  }
0x3c: {  	v4 =	vadd.f32 v5, v4  }
0x3d: {  	v5 =	vld [tilespmem:$0xEE30]  }
0x3e: {  	v4 =	vadd.f32 v6, v4  }
0x3f: {  	v6 =	vld [tilespmem:$0xEE40]  }
0x40: {  	v4 =	vadd.f32 v7, v4  }
0x41: {  	v7 =	vld [tilespmem:$0xEE50]  }
0x42: {  	v4 =	vadd.f32 v5, v4  }
0x43: {  	v5 =	vld [tilespmem:$0xEE60]  }
0x44: {  	v4 =	vadd.f32 v6, v4  }
0x45: {  	v6 =	vld [tilespmem:$0xEE70]  }
0x46: {  	v4 =	vadd.f32 v7, v4  }
0x47: {  	v7 =	vld [tilespmem:$0xEE80]  }
0x48: {  	v4 =	vadd.f32 v5, v4  }
0x49: {  	v5 =	vld [tilespmem:$0xEE90]  }
0x4a: {  	v4 =	vadd.f32 v6, v4  }
0x4b: {  	v6 =	vld [tilespmem:$0xEEA0]  }
0x4c: {  	v4 =	vadd.f32 v7, v4  }
0x4d: {  	v7 =	vld [tilespmem:$0xEEB0]  }
0x4e: {  	v4 =	vadd.f32 v5, v4  }
0x4f: {  	v5 =	vld [tilespmem:$0xEEC0]  }
0x50: {  	v4 =	vadd.f32 v6, v4  }
0x51: {  	v6 =	vld [tilespmem:$0xEED0]  }
0x52: {  	v4 =	vadd.f32 v7, v4  }
0x53: {  	v7 =	vld [tilespmem:$0xEEE0]  }
0x54: {  	v4 =	vadd.f32 v5, v4  }
0x55: {  	v5 =	vld [tilespmem:$0xEEF0]  }
0x56: {  	v4 =	vadd.f32 v6, v4;
	_ =	sdelay $0x1  }
0x57: {  	v4 =	vadd.f32 v7, v4;
	_ =	sdelay $0x1  }
0x58: {  	v4 =	vadd.f32 v5, v4;
	_ =	sdelay $0x1  }
0x59: {  	[tilespmem:$0xED00] =	vst v4  }
0x5a: {  	v5 =	vld.idx.msk [tilespmem:v0+s11+$0x0], $0xffff;
	_ =	sdelay $0x4  }
0x5b: {  	v4 =	vadd.f32 v5, v4;
	_ =	sdelay $0x1  }
0x5c: {  	[tilespmem:$0xED00] =	vst v4  }
0x5d: {  	v5 =	vld.idx.msk [tilespmem:v1+s11+$0x0], $0xffff;
	_ =	sdelay $0x4  }
0x5e: {  	v4 =	vadd.f32 v5, v4;
	_ =	sdelay $0x1  }
0x5f: {  	[tilespmem:$0xED00] =	vst v4  }
0x60: {  	v5 =	vld.idx.msk [tilespmem:v2+s11+$0x0], $0xffff;
	_ =	sdelay $0x4  }
0x61: {  	v4 =	vadd.f32 v5, v4;
	_ =	sdelay $0x1  }
0x62: {  	[tilespmem:$0xED00] =	vst v4  }
0x63: {  	v5 =	vld.idx.msk [tilespmem:v3+s11+$0x0], $0xffff;
	_ =	sdelay $0x4  }
0x64: {  	v4 =	vadd.f32 v5, v4;
	_ =	sdelay $0x1  }
0x65: {  	(erf) = vrcp.f32 v4;
	_ =	sdelay $0x4  }
.Ltmp2:
0x66: {  	_ = 	snop;
	(pc) =	sbr.rel .LBB2_2-.Ltmp2, $4  }
0x67: {  	_ = 	snop  }
0x68: {  	[tilespmem:s5], [sflag:$0x1] =	stream.linear.gather [hbm4b:s8+s5], $0x2710, $0x38;
	[tilespmem:$0xEF00] =	vst v63  }
0x69: {  	s20 =	simm.s32 $0x0  }
0x6a: {  	[tilespmem:s13], [sflag:$0x1] =	stream.linear.gather [hbm4b:s9+s5], $0x2710, $0x38;
	v4 =	vpop (erf);
	[tilespmem:$0xEF00] =	vst v63  }
.LBB2_10:
0x6b: {  	s20 =	sadd.s32 $0x1, s20  }
0x6c: {  	p1 =	sne.s32 s20, $0x10  }
.Ltmp3:
0x6d: {  	_ = 	snop;
	(pc) =	sbr.rel @!p1 .LBB2_11-.Ltmp3, $1  }
0x6e: {  	_ =	sdelay $0x3  }
.LBB2_2:
0x6f: {  	s21 =	sshll.u32 s20, $0x6  }
0x70: {  	s22 =	sor.u32 s6, s21  }
0x71: {  	s21 =	sor.u32 $0x20, s22  }
0x72: {  	p2 =	sgt.u32 s21, $0x3E7  }
0x73: {  	s23 =	smul.u32 @!p2 $0x4E2, s21;
	_ =	sdelay $0x1  }
0x74: {  	s25 =	simm.s32 @!p2 $0x0;
	s26 =	simm.s32 @!p2 $0x2780;
	s24 =	sadd.s32 @!p2 s0, s23  }
0x75: {  	[tilespmem:s26], [sflag:$0x2] =	stream.linear.gather @!p2 [hbm4b:s24+s25], $0x2710, $0x38;
	[tilespmem:$0xEF00] =	vst v63  }
0x76: {  	p1 =	seq.s32 s20, $0x0;
	s23 =	sadd.s32 @!p2 s1, s23;
	s24 =	simm.s32 @!p2 $0x7680  }
0x77: {  	[tilespmem:s24], [sflag:$0x2] =	stream.linear.gather @!p2 [hbm4b:s23+s25], $0x2710, $0x38;
	[tilespmem:$0xEF00] =	vst v63  }
0x78: {  	s23 =	simm.s32 @!p1 $0x3  }
0x79: {  	_ =	swait.ge @!p1 [sflag:s23], $0x2710  }
0x7a: {  	[sflag:s23] =	ssyncset.done @!p1 $0x0  }
0x7b: {  	[sflag:s23] =	ssyncadd.s32 @!p1 $0xFFFFD8F0  }
0x7c: {  	_ =	swait.ge [sflag:s14], $0x2710  }
0x7d: {  	[sflag:s14] =	ssyncset.done $0x0  }
0x7e: {  	[sflag:s14] =	ssyncadd.s32 $0xFFFFD8F0  }
0x7f: {  	_ =	swait.ge [sflag:s14], $0x2710  }
0x80: {  	[sflag:s14] =	ssyncset.done $0x0  }
0x81: {  	s23 =	simm.s32 $0x0;
	[sflag:s14] =	ssyncadd.s32 $0xFFFFD8F0  }
0x82: {  	v6 =	vld [tilespmem:s23+$0x4F40]  }
0x83: {  	v8 =	vld [tilespmem:s23+$0x40]  }
0x84: {  	v9 =	vld [tilespmem:s23+$0x4F00]  }
0x85: {  	v10 =	vld [tilespmem:s23+$0x4F10]  }
0x86: {  	v13 =	vld [tilespmem:s23+$0x4F20]  }
0x87: {  	v5 =	vld [tilespmem:s23+$0x4F30]  }
0x88: {  	v7 =	vld [tilespmem:s23+$0x0];
	v6 =	vmul.f32 v6, v4  }
0x89: {  	vm0 =	veq.s32 v8, $0x0;
	v8 =	vld [tilespmem:s23+$0x10]  }
0x8a: {  	v12 =	vmul.f32 v9, v4;
	v11 =	vsel vm0, $0x0, v6;
	v6 =	vld [tilespmem:s23+$0x20]  }
0x8b: {  	s24 =	simm.s32 $0x50;
	s25 =	simm.s32 $0x280;
	v9 =	vld [tilespmem:s23+$0x30];
	[tilespmem:s23+$0x9E40] =	vst v11;
	v11 =	vmul.f32 v10, v4;
	v10 =	vmul.f32 v13, v4  }
.LBB2_3:
0x8c: {  	p3 =	sne.s32 s25, $0x9B00;
	v13 =	vld [tilespmem:s24+$0x4F40];
	v14 =	vmul.f32 v5, v4  }
0x8d: {  	v15 =	vld [tilespmem:s24+$0x40];
	vm0 =	veq.s32 v7, $0x0  }
0x8e: {  	v16 =	vld [tilespmem:s24+$0x4F00];
	v5 =	vsel vm0, $0x0, v12;
	vm0 =	veq.s32 v8, $0x0  }
0x8f: {  	v17 =	vld [tilespmem:s24+$0x4F10];
	[tilespmem:s23+$0x9E00] =	vst v5;
	v5 =	vsel vm0, $0x0, v11;
	vm0 =	veq.s32 v6, $0x0  }
0x90: {  	v18 =	vld [tilespmem:s24+$0x4F20];
	[tilespmem:s23+$0x9E10] =	vst v5;
	v6 =	vsel vm0, $0x0, v10;
	vm0 =	veq.s32 v9, $0x0  }
.Ltmp4:
0x91: {  	v5 =	vld [tilespmem:s24+$0x4F30];
	v9 =	vmul.f32 v13, v4;
	[tilespmem:s23+$0x9E20] =	vst v6;
	v6 =	vsel vm0, $0x0, v14;
	(pc) =	sbr.rel @p3 .LBB2_3-.Ltmp4, $4  }
0x92: {  	v7 =	vld [tilespmem:s24+$0x0];
	vm0 =	veq.s32 v15, $0x0;
	[tilespmem:s23+$0x9E30] =	vst v6;
	s23 =	smov.u32 s24  }
0x93: {  	v12 =	vmul.f32 v16, v4;
	v8 =	vld [tilespmem:s23+$0x10];
	v9 =	vsel vm0, $0x0, v9  }
0x94: {  	v11 =	vmul.f32 v17, v4;
	v6 =	vld [tilespmem:s23+$0x20];
	[tilespmem:s23+$0x9E40] =	vst v9  }
0x95: {  	s24 =	sshra.s32 s25, $0x2;
	s25 =	sadd.s32 $0x140, s25;
	v10 =	vmul.f32 v18, v4;
	v9 =	vld [tilespmem:s23+$0x30]  }
0x96: {  	v13 =	vld [tilespmem:s24+$0x4F40]  }
0x97: {  	v14 =	vld [tilespmem:s24+$0x40];
	vm0 =	veq.s32 v7, $0x0  }
0x98: {  	v15 =	vld [tilespmem:s24+$0x4F10];
	v12 =	vsel vm0, $0x0, v12;
	vm8 =	veq.s32 v8, $0x0  }
0x99: {  	v5 =	vmul.f32 v5, v4;
	v7 =	vld [tilespmem:s24+$0x4F00];
	[tilespmem:s23+$0x9E00] =	vst v12;
	v8 =	vsel vm8, $0x0, v11;
	vm9 =	veq.s32 v6, $0x0  }
0x9a: {  	v59 =	vld [tilespmem:s24+$0x4F20];
	[tilespmem:s23+$0x9E10] =	vst v8;
	v6 =	vsel vm9, $0x0, v10;
	vm10 =	veq.s32 v9, $0x0  }
0x9b: {  	v8 =	vld [tilespmem:s24+$0x4F30];
	[tilespmem:s23+$0x9E20] =	vst v6;
	v5 =	vsel vm10, $0x0, v5  }
0x9c: {  	v6 =	vld [tilespmem:s24+$0x0];
	[tilespmem:s23+$0x9E30] =	vst v5  }
0x9d: {  	v5 =	vld [tilespmem:s24+$0x10]  }
0x9e: {  	v61 =	vld [tilespmem:s24+$0x20]  }
0x9f: {  	v60 =	vmul.f32 v13, v4;
	v62 =	vld [tilespmem:s24+$0x30]  }
0xa0: {  	vm11 =	veq.s32 v14, $0x0;
	v7 =	vmul.f32 v7, v4  }
0xa1: {  	v63 =	vmul.f32 v15, v4;
	v9 =	vsel vm11, $0x0, v60;
	vm12 =	veq.s32 v6, $0x0  }
0xa2: {  	p3 =	sgt.u32 s22, $0x3A7;
	[tilespmem:s24+$0x9E40] =	vst v9;
	v6 =	vmul.f32 v59, v4;
	v7 =	vsel vm12, $0x0, v7;
	vm13 =	veq.s32 v5, $0x0  }
.Ltmp5:
0xa3: {  	v5 =	vmul.f32 v8, v4;
	vm14 =	veq.s32 v61, $0x0;
	[tilespmem:s24+$0x9E00] =	vst v7;
	v7 =	vsel vm13, $0x0, v63;
	(pc) =	sbr.rel @p3 .LBB2_6-.Ltmp5, $4  }
0xa4: {  	s31 =	smul.u32 $0x4E2, s22;
	vm15 =	veq.s32 v62, $0x0;
	v6 =	vsel vm14, $0x0, v6;
	[tilespmem:s24+$0x9E10] =	vst v7  }
0xa5: {  	[tilespmem:s24+$0x9E20] =	vst v6;
	v5 =	vsel vm15, $0x0, v5  }
0xa6: {  	s23 =	sadd.s32 s4, s31;
	[tilespmem:s24+$0x9E30] =	vst v5  }
0xa7: {  	[hbm4b:s23+s5] =	stream.linear.scatter [tilespmem:s15], [sflag:$0x3], $0x2710, $0x38;
	[tilespmem:$0xEF00] =	vst v63  }
0xa8: {  	s22 =	smul.u32 $0x2710, s22;
	_ =	sdelay $0x1  }
0xa9: {  	s22 =	sshrl.u32 s22, $0x3  }
.Ltmp6:
0xaa: {  	s22 =	sadd.s32 $0x13880, s22;
	(pc) =	sbr.rel .LBB2_7-.Ltmp6, $4  }
0xab: {  	s23 =	sadd.s32 s0, s22  }
0xac: {  	[tilespmem:s5], [sflag:$0x1] =	stream.linear.gather [hbm4b:s23+s5], $0x2710, $0x38;
	[tilespmem:$0xEF00] =	vst v63  }
0xad: {  	s22 =	sadd.s32 s1, s22  }
0xae: {  	[tilespmem:s13], [sflag:$0x1] =	stream.linear.gather [hbm4b:s22+s5], $0x2710, $0x38;
	[tilespmem:$0xEF00] =	vst v63  }
.LBB2_6:
.Ltmp7:
0xaf: {  	(pc) =	sbr.rel @p2 .LBB2_10-.Ltmp7, $1  }
0xb0: {  	_ =	sdelay $0x3  }
.LBB2_7:
0xb1: {  	s22 =	simm.s32 @!p1 $0x4  }
0xb2: {  	_ =	swait.ge @!p1 [sflag:s22], $0x2710  }
0xb3: {  	[sflag:s22] =	ssyncset.done @!p1 $0x0  }
0xb4: {  	[sflag:s22] =	ssyncadd.s32 @!p1 $0xFFFFD8F0  }
0xb5: {  	_ =	swait.ge [sflag:s16], $0x2710  }
0xb6: {  	[sflag:s16] =	ssyncset.done $0x0  }
0xb7: {  	[sflag:s16] =	ssyncadd.s32 $0xFFFFD8F0  }
0xb8: {  	_ =	swait.ge [sflag:s16], $0x2710  }
0xb9: {  	[sflag:s16] =	ssyncset.done $0x0  }
0xba: {  	s22 =	simm.s32 $0x0;
	[sflag:s16] =	ssyncadd.s32 $0xFFFFD8F0  }
0xbb: {  	v6 =	vld [tilespmem:s22+$0x76C0]  }
0xbc: {  	v8 =	vld [tilespmem:s22+$0x27C0]  }
0xbd: {  	v9 =	vld [tilespmem:s22+$0x7680]  }
0xbe: {  	v10 =	vld [tilespmem:s22+$0x7690]  }
0xbf: {  	v13 =	vld [tilespmem:s22+$0x76A0]  }
0xc0: {  	v5 =	vld [tilespmem:s22+$0x76B0]  }
0xc1: {  	v7 =	vld [tilespmem:s22+$0x2780];
	v6 =	vmul.f32 v6, v4  }
0xc2: {  	vm0 =	veq.s32 v8, $0x0;
	v8 =	vld [tilespmem:s22+$0x2790]  }
0xc3: {  	v12 =	vmul.f32 v9, v4;
	v11 =	vsel vm0, $0x0, v6;
	v6 =	vld [tilespmem:s22+$0x27A0]  }
0xc4: {  	s23 =	simm.s32 $0x50;
	s24 =	simm.s32 $0x280;
	v9 =	vld [tilespmem:s22+$0x27B0];
	[tilespmem:s22+$0xC5C0] =	vst v11;
	v11 =	vmul.f32 v10, v4;
	v10 =	vmul.f32 v13, v4  }
.LBB2_8:
0xc5: {  	p1 =	sne.s32 s24, $0x9B00;
	v13 =	vld [tilespmem:s23+$0x76C0];
	v14 =	vmul.f32 v5, v4  }
0xc6: {  	v15 =	vld [tilespmem:s23+$0x27C0];
	vm0 =	veq.s32 v7, $0x0  }
0xc7: {  	v16 =	vld [tilespmem:s23+$0x7680];
	v5 =	vsel vm0, $0x0, v12;
	vm0 =	veq.s32 v8, $0x0  }
0xc8: {  	v17 =	vld [tilespmem:s23+$0x7690];
	[tilespmem:s22+$0xC580] =	vst v5;
	v5 =	vsel vm0, $0x0, v11;
	vm0 =	veq.s32 v6, $0x0  }
0xc9: {  	v18 =	vld [tilespmem:s23+$0x76A0];
	[tilespmem:s22+$0xC590] =	vst v5;
	v6 =	vsel vm0, $0x0, v10;
	vm0 =	veq.s32 v9, $0x0  }
.Ltmp8:
0xca: {  	v5 =	vld [tilespmem:s23+$0x76B0];
	v9 =	vmul.f32 v13, v4;
	[tilespmem:s22+$0xC5A0] =	vst v6;
	v6 =	vsel vm0, $0x0, v14;
	(pc) =	sbr.rel @p1 .LBB2_8-.Ltmp8, $4  }
0xcb: {  	v7 =	vld [tilespmem:s23+$0x2780];
	vm0 =	veq.s32 v15, $0x0;
	[tilespmem:s22+$0xC5B0] =	vst v6;
	s22 =	smov.u32 s23  }
0xcc: {  	v12 =	vmul.f32 v16, v4;
	v8 =	vld [tilespmem:s22+$0x2790];
	v9 =	vsel vm0, $0x0, v9  }
0xcd: {  	v11 =	vmul.f32 v17, v4;
	v6 =	vld [tilespmem:s22+$0x27A0];
	[tilespmem:s22+$0xC5C0] =	vst v9  }
0xce: {  	s23 =	sshra.s32 s24, $0x2;
	s24 =	sadd.s32 $0x140, s24;
	v10 =	vmul.f32 v18, v4;
	v9 =	vld [tilespmem:s22+$0x27B0]  }
0xcf: {  	v13 =	vld [tilespmem:s23+$0x76C0]  }
0xd0: {  	v14 =	vld [tilespmem:s23+$0x27C0];
	vm0 =	veq.s32 v7, $0x0  }
0xd1: {  	v15 =	vld [tilespmem:s23+$0x7690];
	v12 =	vsel vm0, $0x0, v12;
	vm8 =	veq.s32 v8, $0x0  }
0xd2: {  	v5 =	vmul.f32 v5, v4;
	v7 =	vld [tilespmem:s23+$0x7680];
	[tilespmem:s22+$0xC580] =	vst v12;
	v8 =	vsel vm8, $0x0, v11;
	vm9 =	veq.s32 v6, $0x0  }
0xd3: {  	v59 =	vld [tilespmem:s23+$0x76A0];
	[tilespmem:s22+$0xC590] =	vst v8;
	v6 =	vsel vm9, $0x0, v10;
	vm10 =	veq.s32 v9, $0x0  }
0xd4: {  	v8 =	vld [tilespmem:s23+$0x76B0];
	[tilespmem:s22+$0xC5A0] =	vst v6;
	v5 =	vsel vm10, $0x0, v5  }
0xd5: {  	v6 =	vld [tilespmem:s23+$0x2780];
	[tilespmem:s22+$0xC5B0] =	vst v5  }
0xd6: {  	v5 =	vld [tilespmem:s23+$0x2790]  }
0xd7: {  	v61 =	vld [tilespmem:s23+$0x27A0]  }
0xd8: {  	v60 =	vmul.f32 v13, v4;
	v62 =	vld [tilespmem:s23+$0x27B0]  }
0xd9: {  	vm11 =	veq.s32 v14, $0x0;
	v7 =	vmul.f32 v7, v4  }
0xda: {  	v63 =	vmul.f32 v15, v4;
	v9 =	vsel vm11, $0x0, v60;
	vm12 =	veq.s32 v6, $0x0  }
0xdb: {  	[tilespmem:s23+$0xC5C0] =	vst v9;
	v6 =	vmul.f32 v59, v4;
	v7 =	vsel vm12, $0x0, v7;
	vm13 =	veq.s32 v5, $0x0  }
.Ltmp9:
0xdc: {  	v5 =	vmul.f32 v8, v4;
	vm14 =	veq.s32 v61, $0x0;
	[tilespmem:s23+$0xC580] =	vst v7;
	v7 =	vsel vm13, $0x0, v63;
	(pc) =	sbr.rel .LBB2_10-.Ltmp9, $4  }
0xdd: {  	s21 =	smul.u32 $0x4E2, s21;
	vm15 =	veq.s32 v62, $0x0;
	v6 =	vsel vm14, $0x0, v6;
	[tilespmem:s23+$0xC590] =	vst v7  }
0xde: {  	[tilespmem:s23+$0xC5A0] =	vst v6;
	v5 =	vsel vm15, $0x0, v5  }
0xdf: {  	s21 =	sadd.s32 s4, s21;
	[tilespmem:s23+$0xC5B0] =	vst v5  }
0xe0: {  	[hbm4b:s21+s5] =	stream.linear.scatter [tilespmem:s17], [sflag:$0x4], $0x2710, $0x38;
	[tilespmem:$0xEF00] =	vst v63  }
.LBB2_12:
0xe1: {  	_ =	sfence.sel $0x180000  }
0xe2: {  	[bflag:$0x0] =	sbarrier.arrive $0xFFFF  }
0xe3: {  	p0 =	sne.s32 s2, $0x0;
	_ =	strace $0x9000004A  }
0xe4: {  	s0 =	sadd.s32 @!p0 $0x100000, s3;
	[bflag:$0x2] =	sbarrier.arrive $0xFFFF  }
0xe5: {  	[sflag:s0] =	ssyncadd.tile.s32 @!p0 $0x1;
	_ =	shalt  }
.Lfunc_end2:
_tile_overlayer_lowered:
.L_overlay_start_2:
0xe6: {  	(tag) =	ssettag $0x2  }
0xe7: {  	s0 =	rddreg [dreg:$0x0];
	s2 =	stileid.u32  }
0xe8: {  	s1 =	rddreg [dreg:$0x1];
	p0 =	sne.s32 s2, $0x0  }
0xe9: {  	s3 =	rddreg [dreg:$0x2];
	[bflag:$0x3] =	sbarrier.arrive $0xFFFF;
	s2 =	simm.s32 @!p0 $0x1C05  }
0xea: {  	[timem:s3], [sflag:s2] =	dma.local @!p0 [hbm:s0], s1  }
0xeb: {  	s0 =	simm.s32 @!p0 $0x5  }
0xec: {  	_ =	swait.ge @!p0 [sflag:s0], s1  }
0xed: {  	s1 =	ssub.s32 @!p0 $0x0, s1;
	[sflag:s0] =	ssyncset.done @!p0 $0x0  }
0xee: {  	[sflag:s0] =	ssyncadd.s32 @!p0 s1  }
0xef: {  	[bflag:$0x3] =	sbarrier.arrive $0xFFFF  }
0xf0: {  	_ =	shalt  }

</sc_bundles>
